<compile_context>
chip_gen: v7x
topology: tpu7x:2x2x1
jax: 0.10.2.dev20260603
libtpu: 0.0.44.dev20260713+nightly
codegen_flags: <defaults>
</compile_context>

<pallas_src>
import functools

import jax
import jax.numpy as jnp
from jax.experimental import pallas as pl

IN_DIM = 6
N_PTS = 4096
K_NBR = 64

_BIG_I = 1 << 30


def _fps_kernel(px_ref, py_ref, pz_ref, ox_ref, oy_ref, oz_ref, *, n_samples):
    px = px_ref[:, :]
    py = py_ref[:, :]
    pz = pz_ref[:, :]
    shape = px.shape
    iota = jax.lax.broadcasted_iota(jnp.int32, shape, 0) * 128 + jax.lax.broadcasted_iota(jnp.int32, shape, 1)

    x0 = px[0, 0]
    y0 = py[0, 0]
    z0 = pz[0, 0]
    ox_ref[0:1, :] = x0.reshape(1, 1)
    oy_ref[0:1, :] = y0.reshape(1, 1)
    oz_ref[0:1, :] = z0.reshape(1, 1)
    dx = px - x0
    dy = py - y0
    dz = pz - z0
    d = (dx * dx + dy * dy) + dz * dz

    def body(i, d):
        m = jnp.max(d)
        nxt = jnp.min(jnp.where(d == m, iota, _BIG_I))
        msk = iota == nxt
        xn = jnp.sum(jnp.where(msk, px, 0.0))
        yn = jnp.sum(jnp.where(msk, py, 0.0))
        zn = jnp.sum(jnp.where(msk, pz, 0.0))
        ox_ref[pl.ds(i, 1), :] = xn.reshape(1, 1)
        oy_ref[pl.ds(i, 1), :] = yn.reshape(1, 1)
        oz_ref[pl.ds(i, 1), :] = zn.reshape(1, 1)
        ex = px - xn
        ey = py - yn
        ez = pz - zn
        nd = (ex * ex + ey * ey) + ez * ez
        return jnp.minimum(d, nd)

    jax.lax.fori_loop(1, n_samples, body, d)


def _fps_pos(pos, n_samples, interpret=False):
    n = pos.shape[0]
    r = n // 128
    px = pos[:, 0].reshape(r, 128)
    py = pos[:, 1].reshape(r, 128)
    pz = pos[:, 2].reshape(r, 128)
    out = pl.pallas_call(
        functools.partial(_fps_kernel, n_samples=n_samples),
        out_shape=[jax.ShapeDtypeStruct((n_samples, 1), jnp.float32)] * 3,
        interpret=interpret,
    )(px, py, pz)
    return jnp.concatenate(out, axis=1)


def _mlp(h, params):
    for W, b in params:
        h = jax.nn.relu(h @ W + b)
    return h


def _dot(a, b):
    return jnp.dot(a, b, preferred_element_type=jnp.float32,
                   precision=jax.lax.Precision.HIGHEST)


def _fp_knn3_kernel(*refs, n_layers):
    (psx_ref, psy_ref, psz_ref, xsrc_ref, ptx_ref, pty_ref, ptz_ref,
     xskip_ref, w0a_ref, w0b_ref, b0_ref) = refs[:11]
    layer_refs = refs[11:11 + 2 * (n_layers - 1)]
    out_ref = refs[11 + 2 * (n_layers - 1)]

    dx = ptx_ref[:, :] - psx_ref[:, :]
    dy = pty_ref[:, :] - psy_ref[:, :]
    dz = ptz_ref[:, :] - psz_ref[:, :]
    d2 = (dx * dx + dy * dy) + dz * dz
    m1 = jnp.min(d2, axis=1, keepdims=True)
    t = jnp.where(d2 == m1, jnp.inf, d2)
    m2 = jnp.min(t, axis=1, keepdims=True)
    t = jnp.where(t == m2, jnp.inf, t)
    m3 = jnp.min(t, axis=1, keepdims=True)
    w = jnp.where(d2 <= m3, 1.0 / jnp.maximum(d2, 1e-16), 0.0)
    sw = jnp.sum(w, axis=1, keepdims=True)
    y = _dot(w, xsrc_ref[:, :]) / sw
    h = jnp.maximum(_dot(y, w0a_ref[:, :]) + _dot(xskip_ref[:, :], w0b_ref[:, :]) + b0_ref[:, :], 0.0)
    for li in range(n_layers - 1):
        w_ref, b_ref = layer_refs[2 * li], layer_refs[2 * li + 1]
        h = jnp.maximum(_dot(h, w_ref[:, :]) + b_ref[:, :], 0.0)
    out_ref[:, :] = h


def _fp_knn3(pos_src, x_src, pos_t, x_skip, params, block_t, interpret=False):
    s = pos_src.shape[0]
    t_n = pos_t.shape[0]
    c = x_src.shape[1]
    cs = x_skip.shape[1]
    w0, b0 = params[0]
    w0a, w0b = w0[:c], w0[c:]
    rest = params[1:]
    n_layers = len(params)
    cout = params[-1][0].shape[1]
    grid = (t_n // block_t,)

    def rep(shape):
        return pl.BlockSpec(shape, lambda i: (0, 0))

    in_specs = [rep((1, s))] * 3 + [rep((s, c))] + \
        [pl.BlockSpec((block_t, 1), lambda i: (i, 0))] * 3 + \
        [pl.BlockSpec((block_t, cs), lambda i: (i, 0))] + \
        [rep(w0a.shape), rep(w0b.shape), rep((1, b0.shape[0]))]
    args = [pos_src[:, 0].reshape(1, s), pos_src[:, 1].reshape(1, s), pos_src[:, 2].reshape(1, s),
            x_src,
            pos_t[:, 0].reshape(t_n, 1), pos_t[:, 1].reshape(t_n, 1), pos_t[:, 2].reshape(t_n, 1),
            x_skip, w0a, w0b, b0.reshape(1, -1)]
    for (w_l, b_l) in rest:
        in_specs += [rep(w_l.shape), rep((1, b_l.shape[0]))]
        args += [w_l, b_l.reshape(1, -1)]

    return pl.pallas_call(
        functools.partial(_fp_knn3_kernel, n_layers=n_layers),
        grid=grid,
        in_specs=in_specs,
        out_specs=pl.BlockSpec((block_t, cout), lambda i: (i, 0)),
        out_shape=jax.ShapeDtypeStruct((t_n, cout), jnp.float32),
        interpret=interpret,
    )(*args)


def _sa3_fp3_kernel(x2_ref, p2x_ref, p2y_ref, p2z_ref,
                    a0a_ref, a0b_ref, ab0_ref, a1_ref, ab1_ref, a2_ref, ab2_ref,
                    f0a_ref, f0b_ref, fb0_ref, f1_ref, fb1_ref,
                    out_ref):
    x2 = x2_ref[:, :]
    h = jnp.maximum(_dot(x2, a0a_ref[:, :])
                    + p2x_ref[:, :] * a0b_ref[0:1, :]
                    + p2y_ref[:, :] * a0b_ref[1:2, :]
                    + p2z_ref[:, :] * a0b_ref[2:3, :]
                    + ab0_ref[:, :], 0.0)
    h = jnp.maximum(_dot(h, a1_ref[:, :]) + ab1_ref[:, :], 0.0)
    h = jnp.maximum(_dot(h, a2_ref[:, :]) + ab2_ref[:, :], 0.0)
    x3 = jnp.max(h, axis=0, keepdims=True)
    g = jnp.maximum(_dot(x3, f0a_ref[:, :]) + _dot(x2, f0b_ref[:, :]) + fb0_ref[:, :], 0.0)
    g = jnp.maximum(_dot(g, f1_ref[:, :]) + fb1_ref[:, :], 0.0)
    out_ref[:, :] = g


def _sa3_fp3(x2, pos2, p_sa3, p_fp3, interpret=False):
    n2 = x2.shape[0]
    c2 = x2.shape[1]
    (a0, ab0), (a1, ab1), (a2, ab2) = p_sa3
    (f0, fb0), (f1, fb1) = p_fp3
    a0a, a0b = a0[:c2], a0[c2:]
    c3 = a2.shape[1]
    f0a, f0b = f0[:c3], f0[c3:]
    args = [x2,
            pos2[:, 0].reshape(n2, 1), pos2[:, 1].reshape(n2, 1), pos2[:, 2].reshape(n2, 1),
            a0a, a0b, ab0.reshape(1, -1), a1, ab1.reshape(1, -1), a2, ab2.reshape(1, -1),
            f0a, f0b, fb0.reshape(1, -1), f1, fb1.reshape(1, -1)]
    return pl.pallas_call(
        _sa3_fp3_kernel,
        out_shape=jax.ShapeDtypeStruct((n2, f1.shape[1]), jnp.float32),
        interpret=interpret,
    )(*args)


def _radius(pos_src, pos_q, r, K):
    d2 = jnp.sum((pos_q[:, None, :] - pos_src[None, :, :]) ** 2, axis=-1)
    neg, idx = jax.lax.top_k(-d2, K)
    return idx, (-neg) <= r * r


def _knn_idx(pos_src, pos_t, k):
    d2 = jnp.sum((pos_t[:, None, :] - pos_src[None, :, :]) ** 2, axis=-1)
    _, idx = jax.lax.top_k(-d2, min(k, pos_src.shape[0]))
    return idx


def _sa(x, pos_src, pos_q, nidx, valid, params):
    h = jnp.concatenate([x[nidx], pos_src[nidx] - pos_q[:, None, :]], axis=-1)
    h = _mlp(h, params)
    h = jnp.where(valid[..., None], h, -jnp.inf)
    out = jnp.max(h, axis=1)
    return jnp.where(jnp.any(valid, axis=1)[:, None], out, 0.0)


def _fp(x_src, pos_src, pos_t, kidx, x_skip, params):
    d2 = jnp.sum((pos_t[:, None, :] - pos_src[kidx]) ** 2, axis=-1)
    w = 1.0 / jnp.clip(d2, 1e-16, None)
    y = jnp.sum(x_src[kidx] * w[..., None], axis=1) / jnp.sum(w, axis=1, keepdims=True)
    y = jnp.concatenate([y, x_skip], axis=1)
    return _mlp(y, params)


def kernel(x, pos, batch,
           sa1_w0, sa1_b0, sa1_w1, sa1_b1, sa1_w2, sa1_b2,
           sa2_w0, sa2_b0, sa2_w1, sa2_b1, sa2_w2, sa2_b2,
           sa3_w0, sa3_b0, sa3_w1, sa3_b1, sa3_w2, sa3_b2,
           fp3_w0, fp3_b0, fp3_w1, fp3_b1,
           fp2_w0, fp2_b0, fp2_w1, fp2_b1,
           fp1_w0, fp1_b0, fp1_w1, fp1_b1, fp1_w2, fp1_b2):
    inp = dict(locals())
    def params(name, n):
        return tuple((inp[name + '_w' + str(i)], inp[name + '_b' + str(i)]) for i in range(n))
    pos = pos + batch.astype(pos.dtype)[:, None]
    p_sa1, p_sa2, p_sa3 = params('sa1', 3), params('sa2', 3), params('sa3', 3)
    p_fp3, p_fp2, p_fp1 = params('fp3', 2), params('fp2', 2), params('fp1', 3)
    pos1 = _fps_pos(pos, N_PTS // 2)
    n1, v1 = _radius(pos, pos1, 0.2, K_NBR)
    x1 = _sa(x, pos, pos1, n1, v1, p_sa1)
    pos2 = _fps_pos(pos1, pos1.shape[0] // 4)
    n2, v2 = _radius(pos1, pos2, 0.4, K_NBR)
    x2 = _sa(x1, pos1, pos2, n2, v2, p_sa2)
    f3 = _sa3_fp3(x2, pos2, p_sa3, p_fp3)
    f2 = _fp_knn3(pos2, f3, pos1, x1, p_fp2, block_t=512)
    f1 = _fp_knn3(pos1, f2, pos, x, p_fp1, block_t=512)
    return f1

# --- scband reference (transcript-rebuilt; emitter-appended) ---
"""Pipeline reference for scband-point-net2-segmentation-52295521796454 (READ-ONLY COPY).

The authoritative reference and input builder live on the scoring server;
editing this copy changes nothing except your own understanding.
"""

import jax, jax.numpy as jnp
import numpy as np

IN_DIM = 6
N_PTS = 4096
K_NBR = 64

_MLP_SPECS = [('sa1', [3 + IN_DIM, 64, 64, 128]), ('sa2', [128 + 3, 128, 128, 256]), ('sa3', [256 + 3, 256, 512, 1024]), ('fp3', [1024 + 256, 256, 256]), ('fp2', [256 + 128, 256, 128]), ('fp1', [128 + IN_DIM, 128, 128, 128])]

def _lin(key, fi, fo):
    k1, k2 = jax.random.split(key)
    bd = 1.0 / np.sqrt(fi)
    return (jax.random.uniform(k1, (fi, fo), jnp.float32, -bd, bd), jax.random.uniform(k2, (fo,), jnp.float32, -bd, bd))

def setup_inputs(seed=0):
    key = jax.random.key(seed)
    ks = jax.random.split(key, 32)
    inp = {'x': jax.random.normal(ks[0], (N_PTS, IN_DIM), jnp.float32), 'pos': jax.random.uniform(ks[1], (N_PTS, 3), jnp.float32), 'batch': jnp.zeros((N_PTS,), jnp.int32)}
    ki = 2
    for name, ch in _MLP_SPECS:
        for li in range(len(ch) - 1):
            W, b = _lin(ks[ki], ch[li], ch[li + 1])
            ki += 1
            inp[name + '_w' + str(li)] = W
            inp[name + '_b' + str(li)] = b
    return inp

def _mlp(h, params):
    for W, b in params:
        h = jax.nn.relu(h @ W + b)
    return h

def _fps(pos, n_samples):
    dists = jnp.sum((pos - pos[0]) ** 2, axis=1)
    idxs = jnp.zeros((n_samples,), jnp.int32)
    def body(i, st):
        d, ix = st
        nxt = jnp.argmax(d).astype(jnp.int32)
        ix = ix.at[i].set(nxt)
        d = jnp.minimum(d, jnp.sum((pos - pos[nxt]) ** 2, axis=1))
        return d, ix
    _, idxs = jax.lax.fori_loop(1, n_samples, body, (dists, idxs))
    return idxs

def _radius(pos_src, pos_q, r, K):
    d2 = jnp.sum((pos_q[:, None, :] - pos_src[None, :, :]) ** 2, axis=-1)
    neg, idx = jax.lax.top_k(-d2, K)
    return idx, (-neg) <= r * r

def _knn_idx(pos_src, pos_t, k):
    d2 = jnp.sum((pos_t[:, None, :] - pos_src[None, :, :]) ** 2, axis=-1)
    _, idx = jax.lax.top_k(-d2, min(k, pos_src.shape[0]))
    return idx

def _params(inp, name, n):
    return tuple((inp[name + '_w' + str(i)], inp[name + '_b' + str(i)]) for i in range(n))

def _sa(x, pos_src, pos_q, nidx, valid, params):
    h = jnp.concatenate([x[nidx], pos_src[nidx] - pos_q[:, None, :]], axis=-1)
    h = _mlp(h, params)
    h = jnp.where(valid[..., None], h, -jnp.inf)
    out = jnp.max(h, axis=1)
    return jnp.where(jnp.any(valid, axis=1)[:, None], out, 0.0)

def _fp(x_src, pos_src, pos_t, kidx, x_skip, params):
    d2 = jnp.sum((pos_t[:, None, :] - pos_src[kidx]) ** 2, axis=-1)
    w = 1.0 / jnp.clip(d2, 1e-16, None)
    y = jnp.sum(x_src[kidx] * w[..., None], axis=1) / jnp.sum(w, axis=1, keepdims=True)
    y = jnp.concatenate([y, x_skip], axis=1)
    return _mlp(y, params)

def reference(x, pos, batch,
              sa1_w0, sa1_b0, sa1_w1, sa1_b1, sa1_w2, sa1_b2,
              sa2_w0, sa2_b0, sa2_w1, sa2_b1, sa2_w2, sa2_b2,
              sa3_w0, sa3_b0, sa3_w1, sa3_b1, sa3_w2, sa3_b2,
              fp3_w0, fp3_b0, fp3_w1, fp3_b1,
              fp2_w0, fp2_b0, fp2_w1, fp2_b1,
              fp1_w0, fp1_b0, fp1_w1, fp1_b1, fp1_w2, fp1_b2):
    inp = dict(locals())
    pos = pos + batch.astype(pos.dtype)[:, None]
    p_sa1, p_sa2, p_sa3 = _params(inp, 'sa1', 3), _params(inp, 'sa2', 3), _params(inp, 'sa3', 3)
    p_fp3, p_fp2, p_fp1 = _params(inp, 'fp3', 2), _params(inp, 'fp2', 2), _params(inp, 'fp1', 3)
    idx1 = _fps(pos, N_PTS // 2)
    pos1 = pos[idx1]
    n1, v1 = _radius(pos, pos1, 0.2, K_NBR)
    x1 = _sa(x, pos, pos1, n1, v1, p_sa1)
    idx2 = _fps(pos1, pos1.shape[0] // 4)
    pos2 = pos1[idx2]
    n2, v2 = _radius(pos1, pos2, 0.4, K_NBR)
    x2 = _sa(x1, pos1, pos2, n2, v2, p_sa2)
    x3 = jnp.max(_mlp(jnp.concatenate([x2, pos2], axis=1), p_sa3), axis=0, keepdims=True)
    pos3 = jnp.zeros((1, 3), pos.dtype)
    f3 = _fp(x3, pos3, pos2, _knn_idx(pos3, pos2, 1), x2, p_fp3)
    f2 = _fp(f3, pos2, pos1, _knn_idx(pos2, pos1, 3), x1, p_fp2)
    f1 = _fp(f2, pos1, pos, _knn_idx(pos1, pos, 3), x, p_fp1)
    return f1

if __name__ == "__main__":
    import jax
    _d = setup_inputs()
    print(jax.jit(kernel)(*tuple(_d.values())))

</pallas_src>

<mosaic_0001>
module attributes {stable_mosaic.version = 14 : i64} {
  func.func @_fps_kernel(%arg0: memref<32x128xf32, #tpu.memory_space<vmem>>, %arg1: memref<32x128xf32, #tpu.memory_space<vmem>>, %arg2: memref<32x128xf32, #tpu.memory_space<vmem>>, %arg3: memref<2048x1xf32, #tpu.memory_space<vmem>>, %arg4: memref<2048x1xf32, #tpu.memory_space<vmem>>, %arg5: memref<2048x1xf32, #tpu.memory_space<vmem>>) attributes {dimension_semantics = [], scalar_prefetch = 0 : i64, scratch_operands = 0 : i64, tpu.core_type = #tpu.core_type<tc>} {
    %get3A = arith.constant 0 : index
    %get3A_0 = arith.constant 0 : index
    %get3A_1 = vector.load %arg0[%get3A, %get3A_0] : memref<32x128xf32, #tpu.memory_space<vmem>>, vector<32x128xf32>
    %get3A_2 = arith.constant 0 : index
    %get3A_3 = arith.constant 0 : index
    %get3A_4 = vector.load %arg1[%get3A_2, %get3A_3] : memref<32x128xf32, #tpu.memory_space<vmem>>, vector<32x128xf32>
    %get3A_5 = arith.constant 0 : index
    %get3A_6 = arith.constant 0 : index
    %get3A_7 = vector.load %arg2[%get3A_5, %get3A_6] : memref<32x128xf32, #tpu.memory_space<vmem>>, vector<32x128xf32>
    %iota3A = tpu.iota {dimensions = array<i32: 0>} : vector<32x128xi32>
    %mul3A = arith.constant 128 : i32
    %mul3A_8 = vector.broadcast %mul3A : i32 to vector<32x128xi32>
    %mul3A_9 = arith.muli %iota3A, %mul3A_8 : vector<32x128xi32>
    %iota3A_10 = tpu.iota {dimensions = array<i32: 1>} : vector<32x128xi32>
    %add3A = arith.addi %mul3A_9, %iota3A_10 : vector<32x128xi32>
    %slice3A = vector.extract_strided_slice %get3A_1 {offsets = [0, 0], sizes = [1, 1], strides = [1, 1]} : vector<32x128xf32> to vector<1x1xf32>
    %squeeze3A = vector.extract %slice3A[0, 0] : f32 from vector<1x1xf32>
    %slice3A_11 = vector.extract_strided_slice %get3A_4 {offsets = [0, 0], sizes = [1, 1], strides = [1, 1]} : vector<32x128xf32> to vector<1x1xf32>
    %squeeze3A_12 = vector.extract %slice3A_11[0, 0] : f32 from vector<1x1xf32>
    %slice3A_13 = vector.extract_strided_slice %get3A_7 {offsets = [0, 0], sizes = [1, 1], strides = [1, 1]} : vector<32x128xf32> to vector<1x1xf32>
    %squeeze3A_14 = vector.extract %slice3A_13[0, 0] : f32 from vector<1x1xf32>
    %reshape3A = vector.broadcast %squeeze3A : f32 to vector<1x1xf32>
    %swap3A = arith.constant 0 : index
    %swap3A_15 = arith.constant 0 : index
    %swap3A_16 = vector.load %arg3[%swap3A, %swap3A_15] : memref<2048x1xf32, #tpu.memory_space<vmem>>, vector<1x1xf32>
    tpu.vector_store %arg3[%swap3A, %swap3A_15], %reshape3A {strides = array<i32>} : memref<2048x1xf32, #tpu.memory_space<vmem>>, vector<1x1xf32>,
    %reshape3A_17 = vector.broadcast %squeeze3A_12 : f32 to vector<1x1xf32>
    %swap3A_18 = arith.constant 0 : index
    %swap3A_19 = arith.constant 0 : index
    %swap3A_20 = vector.load %arg4[%swap3A_18, %swap3A_19] : memref<2048x1xf32, #tpu.memory_space<vmem>>, vector<1x1xf32>
    tpu.vector_store %arg4[%swap3A_18, %swap3A_19], %reshape3A_17 {strides = array<i32>} : memref<2048x1xf32, #tpu.memory_space<vmem>>, vector<1x1xf32>,
    %reshape3A_21 = vector.broadcast %squeeze3A_14 : f32 to vector<1x1xf32>
    %swap3A_22 = arith.constant 0 : index
    %swap3A_23 = arith.constant 0 : index
    %swap3A_24 = vector.load %arg5[%swap3A_22, %swap3A_23] : memref<2048x1xf32, #tpu.memory_space<vmem>>, vector<1x1xf32>
    tpu.vector_store %arg5[%swap3A_22, %swap3A_23], %reshape3A_21 {strides = array<i32>} : memref<2048x1xf32, #tpu.memory_space<vmem>>, vector<1x1xf32>,
    %sub3A = vector.broadcast %squeeze3A : f32 to vector<32x128xf32>
    %sub3A_25 = arith.subf %get3A_1, %sub3A : vector<32x128xf32>
    %sub3A_26 = vector.broadcast %squeeze3A_12 : f32 to vector<32x128xf32>
    %sub3A_27 = arith.subf %get3A_4, %sub3A_26 : vector<32x128xf32>
    %sub3A_28 = vector.broadcast %squeeze3A_14 : f32 to vector<32x128xf32>
    %sub3A_29 = arith.subf %get3A_7, %sub3A_28 : vector<32x128xf32>
    %mul3A_30 = arith.mulf %sub3A_25, %sub3A_25 : vector<32x128xf32>
    %mul3A_31 = arith.mulf %sub3A_27, %sub3A_27 : vector<32x128xf32>
    %add3A_32 = arith.addf %mul3A_30, %mul3A_31 : vector<32x128xf32>
    %mul3A_33 = arith.mulf %sub3A_29, %sub3A_29 : vector<32x128xf32>
    %add3A_34 = arith.addf %add3A_32, %mul3A_33 : vector<32x128xf32>
    %scan3A = arith.constant 1 : i32
    %scan3A_35 = arith.constant 2047 : i32
    %scan3A_36 = arith.addi %scan3A, %scan3A_35 : i32
    %scan3A_37 = arith.constant 1 : i32
    %scan3A_38 = scf.for %scan3A_40 = %scan3A to %scan3A_36 step %scan3A_37 iter_args(%scan3A_41 = %add3A_34) -> (vector<32x128xf32>)  : i32 {
      %reduce_max3A = vector.shape_cast %scan3A_41 : vector<32x128xf32> to vector<1x32x128xf32>
      %reduce_max3A_42 = arith.constant dense<0xFF800000> : vector<1xf32>
      %reduce_max3A_43 = vector.multi_reduction <maximumf>, %reduce_max3A, %reduce_max3A_42 [1, 2] : vector<1x32x128xf32> to vector<1xf32>
      %reduce_max3A_44 = vector.shape_cast %reduce_max3A_43 : vector<1xf32> to vector<1x1x1xf32>
      %reduce_max3A_45 = vector.extract %reduce_max3A_44[0, 0, 0] : f32 from vector<1x1x1xf32>
      %eq3A = vector.broadcast %reduce_max3A_45 : f32 to vector<32x128xf32>
      %eq3A_46 = arith.cmpf oeq, %scan3A_41, %eq3A : vector<32x128xf32>
      %jit3A = arith.constant 1073741824 : i32
      %broadcast_in_dim3A = vector.broadcast %jit3A : i32 to vector<32x128xi32>
      %select_n3A = arith.select %eq3A_46, %add3A, %broadcast_in_dim3A : vector<32x128xi1>, vector<32x128xi32>
      %reduce_min3A = vector.shape_cast %select_n3A : vector<32x128xi32> to vector<1x32x128xi32>
      %reduce_min3A_47 = arith.constant dense<2147483647> : vector<1xi32>
      %reduce_min3A_48 = vector.multi_reduction <minsi>, %reduce_min3A, %reduce_min3A_47 [1, 2] : vector<1x32x128xi32> to vector<1xi32>
      %reduce_min3A_49 = vector.shape_cast %reduce_min3A_48 : vector<1xi32> to vector<1x1x1xi32>
      %reduce_min3A_50 = vector.extract %reduce_min3A_49[0, 0, 0] : i32 from vector<1x1x1xi32>
      %eq3A_51 = vector.broadcast %reduce_min3A_50 : i32 to vector<32x128xi32>
      %eq3A_52 = arith.cmpi eq, %add3A, %eq3A_51 : vector<32x128xi32>
      %jit3A_53 = arith.constant 0.000000e+00 : f32
      %broadcast_in_dim3A_54 = vector.broadcast %jit3A_53 : f32 to vector<32x128xf32>
      %select_n3A_55 = arith.select %eq3A_52, %get3A_1, %broadcast_in_dim3A_54 : vector<32x128xi1>, vector<32x128xf32>
      %reduce_sum3A = vector.shape_cast %select_n3A_55 : vector<32x128xf32> to vector<1x32x128xf32>
      %reduce_sum3A_56 = arith.constant dense<0.000000e+00> : vector<1xf32>
      %reduce_sum3A_57 = vector.multi_reduction <add>, %reduce_sum3A, %reduce_sum3A_56 [1, 2] : vector<1x32x128xf32> to vector<1xf32>
      %reduce_sum3A_58 = vector.shape_cast %reduce_sum3A_57 : vector<1xf32> to vector<1x1x1xf32>
      %reduce_sum3A_59 = vector.extract %reduce_sum3A_58[0, 0, 0] : f32 from vector<1x1x1xf32>
      %jit3A_60 = arith.constant 0.000000e+00 : f32
      %broadcast_in_dim3A_61 = vector.broadcast %jit3A_60 : f32 to vector<32x128xf32>
      %select_n3A_62 = arith.select %eq3A_52, %get3A_4, %broadcast_in_dim3A_61 : vector<32x128xi1>, vector<32x128xf32>
      %reduce_sum3A_63 = vector.shape_cast %select_n3A_62 : vector<32x128xf32> to vector<1x32x128xf32>
      %reduce_sum3A_64 = arith.constant dense<0.000000e+00> : vector<1xf32>
      %reduce_sum3A_65 = vector.multi_reduction <add>, %reduce_sum3A_63, %reduce_sum3A_64 [1, 2] : vector<1x32x128xf32> to vector<1xf32>
      %reduce_sum3A_66 = vector.shape_cast %reduce_sum3A_65 : vector<1xf32> to vector<1x1x1xf32>
      %reduce_sum3A_67 = vector.extract %reduce_sum3A_66[0, 0, 0] : f32 from vector<1x1x1xf32>
      %jit3A_68 = arith.constant 0.000000e+00 : f32
      %broadcast_in_dim3A_69 = vector.broadcast %jit3A_68 : f32 to vector<32x128xf32>
      %select_n3A_70 = arith.select %eq3A_52, %get3A_7, %broadcast_in_dim3A_69 : vector<32x128xi1>, vector<32x128xf32>
      %reduce_sum3A_71 = vector.shape_cast %select_n3A_70 : vector<32x128xf32> to vector<1x32x128xf32>
      %reduce_sum3A_72 = arith.constant dense<0.000000e+00> : vector<1xf32>
      %reduce_sum3A_73 = vector.multi_reduction <add>, %reduce_sum3A_71, %reduce_sum3A_72 [1, 2] : vector<1x32x128xf32> to vector<1xf32>
      %reduce_sum3A_74 = vector.shape_cast %reduce_sum3A_73 : vector<1xf32> to vector<1x1x1xf32>
      %reduce_sum3A_75 = vector.extract %reduce_sum3A_74[0, 0, 0] : f32 from vector<1x1x1xf32>
      %reshape3A_76 = vector.broadcast %reduce_sum3A_59 : f32 to vector<1x1xf32>
      %swap3A_77 = arith.index_cast %scan3A_40 : i32 to index
      %swap3A_78 = arith.constant 0 : index
      %swap3A_79 = vector.load %arg3[%swap3A_77, %swap3A_78] : memref<2048x1xf32, #tpu.memory_space<vmem>>, vector<1x1xf32>
      tpu.vector_store %arg3[%swap3A_77, %swap3A_78], %reshape3A_76 {strides = array<i32>} : memref<2048x1xf32, #tpu.memory_space<vmem>>, vector<1x1xf32>,
      %reshape3A_80 = vector.broadcast %reduce_sum3A_67 : f32 to vector<1x1xf32>
      %swap3A_81 = arith.index_cast %scan3A_40 : i32 to index
      %swap3A_82 = arith.constant 0 : index
      %swap3A_83 = vector.load %arg4[%swap3A_81, %swap3A_82] : memref<2048x1xf32, #tpu.memory_space<vmem>>, vector<1x1xf32>
      tpu.vector_store %arg4[%swap3A_81, %swap3A_82], %reshape3A_80 {strides = array<i32>} : memref<2048x1xf32, #tpu.memory_space<vmem>>, vector<1x1xf32>,
      %reshape3A_84 = vector.broadcast %reduce_sum3A_75 : f32 to vector<1x1xf32>
      %swap3A_85 = arith.index_cast %scan3A_40 : i32 to index
      %swap3A_86 = arith.constant 0 : index
      %swap3A_87 = vector.load %arg5[%swap3A_85, %swap3A_86] : memref<2048x1xf32, #tpu.memory_space<vmem>>, vector<1x1xf32>
      tpu.vector_store %arg5[%swap3A_85, %swap3A_86], %reshape3A_84 {strides = array<i32>} : memref<2048x1xf32, #tpu.memory_space<vmem>>, vector<1x1xf32>,
      %sub3A_88 = vector.broadcast %reduce_sum3A_59 : f32 to vector<32x128xf32>
      %sub3A_89 = arith.subf %get3A_1, %sub3A_88 : vector<32x128xf32>
      %sub3A_90 = vector.broadcast %reduce_sum3A_67 : f32 to vector<32x128xf32>
      %sub3A_91 = arith.subf %get3A_4, %sub3A_90 : vector<32x128xf32>
      %sub3A_92 = vector.broadcast %reduce_sum3A_75 : f32 to vector<32x128xf32>
      %sub3A_93 = arith.subf %get3A_7, %sub3A_92 : vector<32x128xf32>
      %mul3A_94 = arith.mulf %sub3A_89, %sub3A_89 : vector<32x128xf32>
      %mul3A_95 = arith.mulf %sub3A_91, %sub3A_91 : vector<32x128xf32>
      %add3A_96 = arith.addf %mul3A_94, %mul3A_95 : vector<32x128xf32>
      %mul3A_97 = arith.mulf %sub3A_93, %sub3A_93 : vector<32x128xf32>
      %add3A_98 = arith.addf %add3A_96, %mul3A_97 : vector<32x128xf32>
      %min3A = arith.minimumf %scan3A_41, %add3A_98 : vector<32x128xf32>
      scf.yield %min3A : vector<32x128xf32>
    }
    %scan3A_39 = arith.constant 2047 : i32
    return
  }
}

module attributes {stable_mosaic.version = 14 : i64} {
  func.func @_fps_kernel(%arg0: memref<16x128xf32, #tpu.memory_space<vmem>>, %arg1: memref<16x128xf32, #tpu.memory_space<vmem>>, %arg2: memref<16x128xf32, #tpu.memory_space<vmem>>, %arg3: memref<512x1xf32, #tpu.memory_space<vmem>>, %arg4: memref<512x1xf32, #tpu.memory_space<vmem>>, %arg5: memref<512x1xf32, #tpu.memory_space<vmem>>) attributes {dimension_semantics = [], scalar_prefetch = 0 : i64, scratch_operands = 0 : i64, tpu.core_type = #tpu.core_type<tc>} {
    %get3A = arith.constant 0 : index
    %get3A_0 = arith.constant 0 : index
    %get3A_1 = vector.load %arg0[%get3A, %get3A_0] : memref<16x128xf32, #tpu.memory_space<vmem>>, vector<16x128xf32>
    %get3A_2 = arith.constant 0 : index
    %get3A_3 = arith.constant 0 : index
    %get3A_4 = vector.load %arg1[%get3A_2, %get3A_3] : memref<16x128xf32, #tpu.memory_space<vmem>>, vector<16x128xf32>
    %get3A_5 = arith.constant 0 : index
    %get3A_6 = arith.constant 0 : index
    %get3A_7 = vector.load %arg2[%get3A_5, %get3A_6] : memref<16x128xf32, #tpu.memory_space<vmem>>, vector<16x128xf32>
    %iota3A = tpu.iota {dimensions = array<i32: 0>} : vector<16x128xi32>
    %mul3A = arith.constant 128 : i32
    %mul3A_8 = vector.broadcast %mul3A : i32 to vector<16x128xi32>
    %mul3A_9 = arith.muli %iota3A, %mul3A_8 : vector<16x128xi32>
    %iota3A_10 = tpu.iota {dimensions = array<i32: 1>} : vector<16x128xi32>
    %add3A = arith.addi %mul3A_9, %iota3A_10 : vector<16x128xi32>
    %slice3A = vector.extract_strided_slice %get3A_1 {offsets = [0, 0], sizes = [1, 1], strides = [1, 1]} : vector<16x128xf32> to vector<1x1xf32>
    %squeeze3A = vector.extract %slice3A[0, 0] : f32 from vector<1x1xf32>
    %slice3A_11 = vector.extract_strided_slice %get3A_4 {offsets = [0, 0], sizes = [1, 1], strides = [1, 1]} : vector<16x128xf32> to vector<1x1xf32>
    %squeeze3A_12 = vector.extract %slice3A_11[0, 0] : f32 from vector<1x1xf32>
    %slice3A_13 = vector.extract_strided_slice %get3A_7 {offsets = [0, 0], sizes = [1, 1], strides = [1, 1]} : vector<16x128xf32> to vector<1x1xf32>
    %squeeze3A_14 = vector.extract %slice3A_13[0, 0] : f32 from vector<1x1xf32>
    %reshape3A = vector.broadcast %squeeze3A : f32 to vector<1x1xf32>
    %swap3A = arith.constant 0 : index
    %swap3A_15 = arith.constant 0 : index
    %swap3A_16 = vector.load %arg3[%swap3A, %swap3A_15] : memref<512x1xf32, #tpu.memory_space<vmem>>, vector<1x1xf32>
    tpu.vector_store %arg3[%swap3A, %swap3A_15], %reshape3A {strides = array<i32>} : memref<512x1xf32, #tpu.memory_space<vmem>>, vector<1x1xf32>,
    %reshape3A_17 = vector.broadcast %squeeze3A_12 : f32 to vector<1x1xf32>
    %swap3A_18 = arith.constant 0 : index
    %swap3A_19 = arith.constant 0 : index
    %swap3A_20 = vector.load %arg4[%swap3A_18, %swap3A_19] : memref<512x1xf32, #tpu.memory_space<vmem>>, vector<1x1xf32>
    tpu.vector_store %arg4[%swap3A_18, %swap3A_19], %reshape3A_17 {strides = array<i32>} : memref<512x1xf32, #tpu.memory_space<vmem>>, vector<1x1xf32>,
    %reshape3A_21 = vector.broadcast %squeeze3A_14 : f32 to vector<1x1xf32>
    %swap3A_22 = arith.constant 0 : index
    %swap3A_23 = arith.constant 0 : index
    %swap3A_24 = vector.load %arg5[%swap3A_22, %swap3A_23] : memref<512x1xf32, #tpu.memory_space<vmem>>, vector<1x1xf32>
    tpu.vector_store %arg5[%swap3A_22, %swap3A_23], %reshape3A_21 {strides = array<i32>} : memref<512x1xf32, #tpu.memory_space<vmem>>, vector<1x1xf32>,
    %sub3A = vector.broadcast %squeeze3A : f32 to vector<16x128xf32>
    %sub3A_25 = arith.subf %get3A_1, %sub3A : vector<16x128xf32>
    %sub3A_26 = vector.broadcast %squeeze3A_12 : f32 to vector<16x128xf32>
    %sub3A_27 = arith.subf %get3A_4, %sub3A_26 : vector<16x128xf32>
    %sub3A_28 = vector.broadcast %squeeze3A_14 : f32 to vector<16x128xf32>
    %sub3A_29 = arith.subf %get3A_7, %sub3A_28 : vector<16x128xf32>
    %mul3A_30 = arith.mulf %sub3A_25, %sub3A_25 : vector<16x128xf32>
    %mul3A_31 = arith.mulf %sub3A_27, %sub3A_27 : vector<16x128xf32>
    %add3A_32 = arith.addf %mul3A_30, %mul3A_31 : vector<16x128xf32>
    %mul3A_33 = arith.mulf %sub3A_29, %sub3A_29 : vector<16x128xf32>
    %add3A_34 = arith.addf %add3A_32, %mul3A_33 : vector<16x128xf32>
    %scan3A = arith.constant 1 : i32
    %scan3A_35 = arith.constant 511 : i32
    %scan3A_36 = arith.addi %scan3A, %scan3A_35 : i32
    %scan3A_37 = arith.constant 1 : i32
    %scan3A_38 = scf.for %scan3A_40 = %scan3A to %scan3A_36 step %scan3A_37 iter_args(%scan3A_41 = %add3A_34) -> (vector<16x128xf32>)  : i32 {
      %reduce_max3A = vector.shape_cast %scan3A_41 : vector<16x128xf32> to vector<1x16x128xf32>
      %reduce_max3A_42 = arith.constant dense<0xFF800000> : vector<1xf32>
      %reduce_max3A_43 = vector.multi_reduction <maximumf>, %reduce_max3A, %reduce_max3A_42 [1, 2] : vector<1x16x128xf32> to vector<1xf32>
      %reduce_max3A_44 = vector.shape_cast %reduce_max3A_43 : vector<1xf32> to vector<1x1x1xf32>
      %reduce_max3A_45 = vector.extract %reduce_max3A_44[0, 0, 0] : f32 from vector<1x1x1xf32>
      %eq3A = vector.broadcast %reduce_max3A_45 : f32 to vector<16x128xf32>
      %eq3A_46 = arith.cmpf oeq, %scan3A_41, %eq3A : vector<16x128xf32>
      %jit3A = arith.constant 1073741824 : i32
      %broadcast_in_dim3A = vector.broadcast %jit3A : i32 to vector<16x128xi32>
      %select_n3A = arith.select %eq3A_46, %add3A, %broadcast_in_dim3A : vector<16x128xi1>, vector<16x128xi32>
      %reduce_min3A = vector.shape_cast %select_n3A : vector<16x128xi32> to vector<1x16x128xi32>
      %reduce_min3A_47 = arith.constant dense<2147483647> : vector<1xi32>
      %reduce_min3A_48 = vector.multi_reduction <minsi>, %reduce_min3A, %reduce_min3A_47 [1, 2] : vector<1x16x128xi32> to vector<1xi32>
      %reduce_min3A_49 = vector.shape_cast %reduce_min3A_48 : vector<1xi32> to vector<1x1x1xi32>
      %reduce_min3A_50 = vector.extract %reduce_min3A_49[0, 0, 0] : i32 from vector<1x1x1xi32>
      %eq3A_51 = vector.broadcast %reduce_min3A_50 : i32 to vector<16x128xi32>
      %eq3A_52 = arith.cmpi eq, %add3A, %eq3A_51 : vector<16x128xi32>
      %jit3A_53 = arith.constant 0.000000e+00 : f32
      %broadcast_in_dim3A_54 = vector.broadcast %jit3A_53 : f32 to vector<16x128xf32>
      %select_n3A_55 = arith.select %eq3A_52, %get3A_1, %broadcast_in_dim3A_54 : vector<16x128xi1>, vector<16x128xf32>
      %reduce_sum3A = vector.shape_cast %select_n3A_55 : vector<16x128xf32> to vector<1x16x128xf32>
      %reduce_sum3A_56 = arith.constant dense<0.000000e+00> : vector<1xf32>
      %reduce_sum3A_57 = vector.multi_reduction <add>, %reduce_sum3A, %reduce_sum3A_56 [1, 2] : vector<1x16x128xf32> to vector<1xf32>
      %reduce_sum3A_58 = vector.shape_cast %reduce_sum3A_57 : vector<1xf32> to vector<1x1x1xf32>
      %reduce_sum3A_59 = vector.extract %reduce_sum3A_58[0, 0, 0] : f32 from vector<1x1x1xf32>
      %jit3A_60 = arith.constant 0.000000e+00 : f32
      %broadcast_in_dim3A_61 = vector.broadcast %jit3A_60 : f32 to vector<16x128xf32>
      %select_n3A_62 = arith.select %eq3A_52, %get3A_4, %broadcast_in_dim3A_61 : vector<16x128xi1>, vector<16x128xf32>
      %reduce_sum3A_63 = vector.shape_cast %select_n3A_62 : vector<16x128xf32> to vector<1x16x128xf32>
      %reduce_sum3A_64 = arith.constant dense<0.000000e+00> : vector<1xf32>
      %reduce_sum3A_65 = vector.multi_reduction <add>, %reduce_sum3A_63, %reduce_sum3A_64 [1, 2] : vector<1x16x128xf32> to vector<1xf32>
      %reduce_sum3A_66 = vector.shape_cast %reduce_sum3A_65 : vector<1xf32> to vector<1x1x1xf32>
      %reduce_sum3A_67 = vector.extract %reduce_sum3A_66[0, 0, 0] : f32 from vector<1x1x1xf32>
      %jit3A_68 = arith.constant 0.000000e+00 : f32
      %broadcast_in_dim3A_69 = vector.broadcast %jit3A_68 : f32 to vector<16x128xf32>
      %select_n3A_70 = arith.select %eq3A_52, %get3A_7, %broadcast_in_dim3A_69 : vector<16x128xi1>, vector<16x128xf32>
      %reduce_sum3A_71 = vector.shape_cast %select_n3A_70 : vector<16x128xf32> to vector<1x16x128xf32>
      %reduce_sum3A_72 = arith.constant dense<0.000000e+00> : vector<1xf32>
      %reduce_sum3A_73 = vector.multi_reduction <add>, %reduce_sum3A_71, %reduce_sum3A_72 [1, 2] : vector<1x16x128xf32> to vector<1xf32>
      %reduce_sum3A_74 = vector.shape_cast %reduce_sum3A_73 : vector<1xf32> to vector<1x1x1xf32>
      %reduce_sum3A_75 = vector.extract %reduce_sum3A_74[0, 0, 0] : f32 from vector<1x1x1xf32>
      %reshape3A_76 = vector.broadcast %reduce_sum3A_59 : f32 to vector<1x1xf32>
      %swap3A_77 = arith.index_cast %scan3A_40 : i32 to index
      %swap3A_78 = arith.constant 0 : index
      %swap3A_79 = vector.load %arg3[%swap3A_77, %swap3A_78] : memref<512x1xf32, #tpu.memory_space<vmem>>, vector<1x1xf32>
      tpu.vector_store %arg3[%swap3A_77, %swap3A_78], %reshape3A_76 {strides = array<i32>} : memref<512x1xf32, #tpu.memory_space<vmem>>, vector<1x1xf32>,
      %reshape3A_80 = vector.broadcast %reduce_sum3A_67 : f32 to vector<1x1xf32>
      %swap3A_81 = arith.index_cast %scan3A_40 : i32 to index
      %swap3A_82 = arith.constant 0 : index
      %swap3A_83 = vector.load %arg4[%swap3A_81, %swap3A_82] : memref<512x1xf32, #tpu.memory_space<vmem>>, vector<1x1xf32>
      tpu.vector_store %arg4[%swap3A_81, %swap3A_82], %reshape3A_80 {strides = array<i32>} : memref<512x1xf32, #tpu.memory_space<vmem>>, vector<1x1xf32>,
      %reshape3A_84 = vector.broadcast %reduce_sum3A_75 : f32 to vector<1x1xf32>
      %swap3A_85 = arith.index_cast %scan3A_40 : i32 to index
      %swap3A_86 = arith.constant 0 : index
      %swap3A_87 = vector.load %arg5[%swap3A_85, %swap3A_86] : memref<512x1xf32, #tpu.memory_space<vmem>>, vector<1x1xf32>
      tpu.vector_store %arg5[%swap3A_85, %swap3A_86], %reshape3A_84 {strides = array<i32>} : memref<512x1xf32, #tpu.memory_space<vmem>>, vector<1x1xf32>,
      %sub3A_88 = vector.broadcast %reduce_sum3A_59 : f32 to vector<16x128xf32>
      %sub3A_89 = arith.subf %get3A_1, %sub3A_88 : vector<16x128xf32>
      %sub3A_90 = vector.broadcast %reduce_sum3A_67 : f32 to vector<16x128xf32>
      %sub3A_91 = arith.subf %get3A_4, %sub3A_90 : vector<16x128xf32>
      %sub3A_92 = vector.broadcast %reduce_sum3A_75 : f32 to vector<16x128xf32>
      %sub3A_93 = arith.subf %get3A_7, %sub3A_92 : vector<16x128xf32>
      %mul3A_94 = arith.mulf %sub3A_89, %sub3A_89 : vector<16x128xf32>
      %mul3A_95 = arith.mulf %sub3A_91, %sub3A_91 : vector<16x128xf32>
      %add3A_96 = arith.addf %mul3A_94, %mul3A_95 : vector<16x128xf32>
      %mul3A_97 = arith.mulf %sub3A_93, %sub3A_93 : vector<16x128xf32>
      %add3A_98 = arith.addf %add3A_96, %mul3A_97 : vector<16x128xf32>
      %min3A = arith.minimumf %scan3A_41, %add3A_98 : vector<16x128xf32>
      scf.yield %min3A : vector<16x128xf32>
    }
    %scan3A_39 = arith.constant 511 : i32
    return
  }
}

module attributes {stable_mosaic.version = 14 : i64} {
  func.func @_sa3_fp3_kernel(%arg0: memref<512x256xf32, #tpu.memory_space<vmem>>, %arg1: memref<512x1xf32, #tpu.memory_space<vmem>>, %arg2: memref<512x1xf32, #tpu.memory_space<vmem>>, %arg3: memref<512x1xf32, #tpu.memory_space<vmem>>, %arg4: memref<256x256xf32, #tpu.memory_space<vmem>>, %arg5: memref<3x256xf32, #tpu.memory_space<vmem>>, %arg6: memref<1x256xf32, #tpu.memory_space<vmem>>, %arg7: memref<256x512xf32, #tpu.memory_space<vmem>>, %arg8: memref<1x512xf32, #tpu.memory_space<vmem>>, %arg9: memref<512x1024xf32, #tpu.memory_space<vmem>>, %arg10: memref<1x1024xf32, #tpu.memory_space<vmem>>, %arg11: memref<1024x256xf32, #tpu.memory_space<vmem>>, %arg12: memref<256x256xf32, #tpu.memory_space<vmem>>, %arg13: memref<1x256xf32, #tpu.memory_space<vmem>>, %arg14: memref<256x256xf32, #tpu.memory_space<vmem>>, %arg15: memref<1x256xf32, #tpu.memory_space<vmem>>, %arg16: memref<512x256xf32, #tpu.memory_space<vmem>>) attributes {dimension_semantics = [], scalar_prefetch = 0 : i64, scratch_operands = 0 : i64, tpu.core_type = #tpu.core_type<tc>} {
    %get3A = arith.constant 0 : index
    %get3A_0 = arith.constant 0 : index
    %get3A_1 = vector.load %arg0[%get3A, %get3A_0] : memref<512x256xf32, #tpu.memory_space<vmem>>, vector<512x256xf32>
    %get3A_2 = arith.constant 0 : index
    %get3A_3 = arith.constant 0 : index
    %get3A_4 = vector.load %arg4[%get3A_2, %get3A_3] : memref<256x256xf32, #tpu.memory_space<vmem>>, vector<256x256xf32>
    %dot_general3A = arith.constant dense<0.000000e+00> : vector<512x256xf32>
    %dot_general3A_5 = tpu.matmul %get3A_1, %get3A_4, %dot_general3A {dimension_numbers = #tpu.dot_dimension_numbers<[1], [0], [0], [1], [0, 0, 1, 1], [], []>, precision = #tpu.contract_precision<fp32>, transpose_lhs_hint = false} : vector<512x256xf32>, vector<256x256xf32>, vector<512x256xf32> -> vector<512x256xf32>
    %get3A_6 = arith.constant 0 : index
    %get3A_7 = arith.constant 0 : index
    %get3A_8 = vector.load %arg1[%get3A_6, %get3A_7] : memref<512x1xf32, #tpu.memory_space<vmem>>, vector<512x1xf32>
    %get3A_9 = arith.constant 0 : index
    %get3A_10 = arith.constant 0 : index
    %get3A_11 = vector.load %arg5[%get3A_9, %get3A_10] : memref<3x256xf32, #tpu.memory_space<vmem>>, vector<1x256xf32>
    %mul3A = vector.broadcast %get3A_8 : vector<512x1xf32> to vector<512x256xf32>
    %mul3A_12 = vector.broadcast %get3A_11 : vector<1x256xf32> to vector<512x256xf32>
    %mul3A_13 = arith.mulf %mul3A, %mul3A_12 : vector<512x256xf32>
    %add3A = arith.addf %dot_general3A_5, %mul3A_13 : vector<512x256xf32>
    %get3A_14 = arith.constant 0 : index
    %get3A_15 = arith.constant 0 : index
    %get3A_16 = vector.load %arg2[%get3A_14, %get3A_15] : memref<512x1xf32, #tpu.memory_space<vmem>>, vector<512x1xf32>
    %get3A_17 = arith.constant 1 : index
    %get3A_18 = arith.constant 0 : index
    %get3A_19 = vector.load %arg5[%get3A_17, %get3A_18] : memref<3x256xf32, #tpu.memory_space<vmem>>, vector<1x256xf32>
    %mul3A_20 = vector.broadcast %get3A_16 : vector<512x1xf32> to vector<512x256xf32>
    %mul3A_21 = vector.broadcast %get3A_19 : vector<1x256xf32> to vector<512x256xf32>
    %mul3A_22 = arith.mulf %mul3A_20, %mul3A_21 : vector<512x256xf32>
    %add3A_23 = arith.addf %add3A, %mul3A_22 : vector<512x256xf32>
    %get3A_24 = arith.constant 0 : index
    %get3A_25 = arith.constant 0 : index
    %get3A_26 = vector.load %arg3[%get3A_24, %get3A_25] : memref<512x1xf32, #tpu.memory_space<vmem>>, vector<512x1xf32>
    %get3A_27 = arith.constant 2 : index
    %get3A_28 = arith.constant 0 : index
    %get3A_29 = vector.load %arg5[%get3A_27, %get3A_28] : memref<3x256xf32, #tpu.memory_space<vmem>>, vector<1x256xf32>
    %mul3A_30 = vector.broadcast %get3A_26 : vector<512x1xf32> to vector<512x256xf32>
    %mul3A_31 = vector.broadcast %get3A_29 : vector<1x256xf32> to vector<512x256xf32>
    %mul3A_32 = arith.mulf %mul3A_30, %mul3A_31 : vector<512x256xf32>
    %add3A_33 = arith.addf %add3A_23, %mul3A_32 : vector<512x256xf32>
    %get3A_34 = arith.constant 0 : index
    %get3A_35 = arith.constant 0 : index
    %get3A_36 = vector.load %arg6[%get3A_34, %get3A_35] : memref<1x256xf32, #tpu.memory_space<vmem>>, vector<1x256xf32>
    %add3A_37 = vector.broadcast %get3A_36 : vector<1x256xf32> to vector<512x256xf32>
    %add3A_38 = arith.addf %add3A_33, %add3A_37 : vector<512x256xf32>
    %max3A = arith.constant 0.000000e+00 : f32
    %max3A_39 = vector.broadcast %max3A : f32 to vector<512x256xf32>
    %max3A_40 = arith.maximumf %add3A_38, %max3A_39 : vector<512x256xf32>
    %get3A_41 = arith.constant 0 : index
    %get3A_42 = arith.constant 0 : index
    %get3A_43 = vector.load %arg7[%get3A_41, %get3A_42] : memref<256x512xf32, #tpu.memory_space<vmem>>, vector<256x512xf32>
    %dot_general3A_44 = arith.constant dense<0.000000e+00> : vector<512x512xf32>
    %dot_general3A_45 = tpu.matmul %max3A_40, %get3A_43, %dot_general3A_44 {dimension_numbers = #tpu.dot_dimension_numbers<[1], [0], [0], [1], [0, 0, 1, 1], [], []>, precision = #tpu.contract_precision<fp32>, transpose_lhs_hint = false} : vector<512x256xf32>, vector<256x512xf32>, vector<512x512xf32> -> vector<512x512xf32>
    %get3A_46 = arith.constant 0 : index
    %get3A_47 = arith.constant 0 : index
    %get3A_48 = vector.load %arg8[%get3A_46, %get3A_47] : memref<1x512xf32, #tpu.memory_space<vmem>>, vector<1x512xf32>
    %add3A_49 = vector.broadcast %get3A_48 : vector<1x512xf32> to vector<512x512xf32>
    %add3A_50 = arith.addf %dot_general3A_45, %add3A_49 : vector<512x512xf32>
    %max3A_51 = arith.constant 0.000000e+00 : f32
    %max3A_52 = vector.broadcast %max3A_51 : f32 to vector<512x512xf32>
    %max3A_53 = arith.maximumf %add3A_50, %max3A_52 : vector<512x512xf32>
    %get3A_54 = arith.constant 0 : index
    %get3A_55 = arith.constant 0 : index
    %get3A_56 = vector.load %arg9[%get3A_54, %get3A_55] : memref<512x1024xf32, #tpu.memory_space<vmem>>, vector<512x1024xf32>
    %dot_general3A_57 = arith.constant dense<0.000000e+00> : vector<512x1024xf32>
    %dot_general3A_58 = tpu.matmul %max3A_53, %get3A_56, %dot_general3A_57 {dimension_numbers = #tpu.dot_dimension_numbers<[1], [0], [0], [1], [0, 0, 1, 1], [], []>, precision = #tpu.contract_precision<fp32>, transpose_lhs_hint = false} : vector<512x512xf32>, vector<512x1024xf32>, vector<512x1024xf32> -> vector<512x1024xf32>
    %get3A_59 = arith.constant 0 : index
    %get3A_60 = arith.constant 0 : index
    %get3A_61 = vector.load %arg10[%get3A_59, %get3A_60] : memref<1x1024xf32, #tpu.memory_space<vmem>>, vector<1x1024xf32>
    %add3A_62 = vector.broadcast %get3A_61 : vector<1x1024xf32> to vector<512x1024xf32>
    %add3A_63 = arith.addf %dot_general3A_58, %add3A_62 : vector<512x1024xf32>
    %max3A_64 = arith.constant 0.000000e+00 : f32
    %max3A_65 = vector.broadcast %max3A_64 : f32 to vector<512x1024xf32>
    %max3A_66 = arith.maximumf %add3A_63, %max3A_65 : vector<512x1024xf32>
    %reduce_max3A = arith.constant dense<0xFF800000> : vector<1024xf32>
    %reduce_max3A_67 = vector.multi_reduction <maximumf>, %max3A_66, %reduce_max3A [0] : vector<512x1024xf32> to vector<1024xf32>
    %broadcast_in_dim3A = vector.shape_cast %reduce_max3A_67 : vector<1024xf32> to vector<1x1024xf32>
    %get3A_68 = arith.constant 0 : index
    %get3A_69 = arith.constant 0 : index
    %get3A_70 = vector.load %arg11[%get3A_68, %get3A_69] : memref<1024x256xf32, #tpu.memory_space<vmem>>, vector<1024x256xf32>
    %dot_general3A_71 = arith.constant dense<0.000000e+00> : vector<1x256xf32>
    %dot_general3A_72 = tpu.matmul %broadcast_in_dim3A, %get3A_70, %dot_general3A_71 {dimension_numbers = #tpu.dot_dimension_numbers<[1], [0], [0], [1], [0, 0, 1, 1], [], []>, precision = #tpu.contract_precision<fp32>, transpose_lhs_hint = false} : vector<1x1024xf32>, vector<1024x256xf32>, vector<1x256xf32> -> vector<1x256xf32>
    %get3A_73 = arith.constant 0 : index
    %get3A_74 = arith.constant 0 : index
    %get3A_75 = vector.load %arg12[%get3A_73, %get3A_74] : memref<256x256xf32, #tpu.memory_space<vmem>>, vector<256x256xf32>
    %dot_general3A_76 = arith.constant dense<0.000000e+00> : vector<512x256xf32>
    %dot_general3A_77 = tpu.matmul %get3A_1, %get3A_75, %dot_general3A_76 {dimension_numbers = #tpu.dot_dimension_numbers<[1], [0], [0], [1], [0, 0, 1, 1], [], []>, precision = #tpu.contract_precision<fp32>, transpose_lhs_hint = false} : vector<512x256xf32>, vector<256x256xf32>, vector<512x256xf32> -> vector<512x256xf32>
    %add3A_78 = vector.broadcast %dot_general3A_72 : vector<1x256xf32> to vector<512x256xf32>
    %add3A_79 = arith.addf %add3A_78, %dot_general3A_77 : vector<512x256xf32>
    %get3A_80 = arith.constant 0 : index
    %get3A_81 = arith.constant 0 : index
    %get3A_82 = vector.load %arg13[%get3A_80, %get3A_81] : memref<1x256xf32, #tpu.memory_space<vmem>>, vector<1x256xf32>
    %add3A_83 = vector.broadcast %get3A_82 : vector<1x256xf32> to vector<512x256xf32>
    %add3A_84 = arith.addf %add3A_79, %add3A_83 : vector<512x256xf32>
    %max3A_85 = arith.constant 0.000000e+00 : f32
    %max3A_86 = vector.broadcast %max3A_85 : f32 to vector<512x256xf32>
    %max3A_87 = arith.maximumf %add3A_84, %max3A_86 : vector<512x256xf32>
    %get3A_88 = arith.constant 0 : index
    %get3A_89 = arith.constant 0 : index
    %get3A_90 = vector.load %arg14[%get3A_88, %get3A_89] : memref<256x256xf32, #tpu.memory_space<vmem>>, vector<256x256xf32>
    %dot_general3A_91 = arith.constant dense<0.000000e+00> : vector<512x256xf32>
    %dot_general3A_92 = tpu.matmul %max3A_87, %get3A_90, %dot_general3A_91 {dimension_numbers = #tpu.dot_dimension_numbers<[1], [0], [0], [1], [0, 0, 1, 1], [], []>, precision = #tpu.contract_precision<fp32>, transpose_lhs_hint = false} : vector<512x256xf32>, vector<256x256xf32>, vector<512x256xf32> -> vector<512x256xf32>
    %get3A_93 = arith.constant 0 : index
    %get3A_94 = arith.constant 0 : index
    %get3A_95 = vector.load %arg15[%get3A_93, %get3A_94] : memref<1x256xf32, #tpu.memory_space<vmem>>, vector<1x256xf32>
    %add3A_96 = vector.broadcast %get3A_95 : vector<1x256xf32> to vector<512x256xf32>
    %add3A_97 = arith.addf %dot_general3A_92, %add3A_96 : vector<512x256xf32>
    %max3A_98 = arith.constant 0.000000e+00 : f32
    %max3A_99 = vector.broadcast %max3A_98 : f32 to vector<512x256xf32>
    %max3A_100 = arith.maximumf %add3A_97, %max3A_99 : vector<512x256xf32>
    %swap3A = arith.constant 0 : index
    %swap3A_101 = arith.constant 0 : index
    %swap3A_102 = vector.load %arg16[%swap3A, %swap3A_101] : memref<512x256xf32, #tpu.memory_space<vmem>>, vector<512x256xf32>
    tpu.vector_store %arg16[%swap3A, %swap3A_101], %max3A_100 {strides = array<i32>} : memref<512x256xf32, #tpu.memory_space<vmem>>, vector<512x256xf32>,
    return
  }
}

module attributes {stable_mosaic.version = 14 : i64} {
  func.func @_fp_knn3_kernel(%arg0: i32, %arg1: memref<1x512xf32, #tpu.memory_space<vmem>>, %arg2: memref<1x512xf32, #tpu.memory_space<vmem>>, %arg3: memref<1x512xf32, #tpu.memory_space<vmem>>, %arg4: memref<512x256xf32, #tpu.memory_space<vmem>>, %arg5: memref<512x1xf32, #tpu.memory_space<vmem>>, %arg6: memref<512x1xf32, #tpu.memory_space<vmem>>, %arg7: memref<512x1xf32, #tpu.memory_space<vmem>>, %arg8: memref<512x128xf32, #tpu.memory_space<vmem>>, %arg9: memref<256x256xf32, #tpu.memory_space<vmem>>, %arg10: memref<128x256xf32, #tpu.memory_space<vmem>>, %arg11: memref<1x256xf32, #tpu.memory_space<vmem>>, %arg12: memref<256x128xf32, #tpu.memory_space<vmem>>, %arg13: memref<1x128xf32, #tpu.memory_space<vmem>>, %arg14: memref<512x128xf32, #tpu.memory_space<vmem>>) attributes {dimension_semantics = [#tpu.dimension_semantics<arbitrary>], iteration_bounds = array<i64: 4>, scalar_prefetch = 0 : i64, scratch_operands = 0 : i64, tpu.core_type = #tpu.core_type<tc>, window_params = [{pipeline_mode = #tpu.pipeline_mode<synchronous>, transform_indices = @transform_0, window_bounds = array<i64: 1, 512>}, {pipeline_mode = #tpu.pipeline_mode<synchronous>, transform_indices = @transform_1, window_bounds = array<i64: 1, 512>}, {pipeline_mode = #tpu.pipeline_mode<synchronous>, transform_indices = @transform_2, window_bounds = array<i64: 1, 512>}, {pipeline_mode = #tpu.pipeline_mode<synchronous>, transform_indices = @transform_3, window_bounds = array<i64: 512, 256>}, {transform_indices = @transform_4, window_bounds = array<i64: 512, 1>}, {transform_indices = @transform_5, window_bounds = array<i64: 512, 1>}, {transform_indices = @transform_6, window_bounds = array<i64: 512, 1>}, {transform_indices = @transform_7, window_bounds = array<i64: 512, 128>}, {pipeline_mode = #tpu.pipeline_mode<synchronous>, transform_indices = @transform_8, window_bounds = array<i64: 256, 256>}, {pipeline_mode = #tpu.pipeline_mode<synchronous>, transform_indices = @transform_9, window_bounds = array<i64: 128, 256>}, {pipeline_mode = #tpu.pipeline_mode<synchronous>, transform_indices = @transform_10, window_bounds = array<i64: 1, 256>}, {pipeline_mode = #tpu.pipeline_mode<synchronous>, transform_indices = @transform_11, window_bounds = array<i64: 256, 128>}, {pipeline_mode = #tpu.pipeline_mode<synchronous>, transform_indices = @transform_12, window_bounds = array<i64: 1, 128>}, {transform_indices = @transform_13, window_bounds = array<i64: 512, 128>}]} {
    %get3A = arith.constant 0 : index
    %get3A_0 = arith.constant 0 : index
    %get3A_1 = vector.load %arg5[%get3A, %get3A_0] : memref<512x1xf32, #tpu.memory_space<vmem>>, vector<512x1xf32>
    %get3A_2 = arith.constant 0 : index
    %get3A_3 = arith.constant 0 : index
    %get3A_4 = vector.load %arg1[%get3A_2, %get3A_3] : memref<1x512xf32, #tpu.memory_space<vmem>>, vector<1x512xf32>
    %sub3A = vector.broadcast %get3A_1 : vector<512x1xf32> to vector<512x512xf32>
    %sub3A_5 = vector.broadcast %get3A_4 : vector<1x512xf32> to vector<512x512xf32>
    %sub3A_6 = arith.subf %sub3A, %sub3A_5 : vector<512x512xf32>
    %get3A_7 = arith.constant 0 : index
    %get3A_8 = arith.constant 0 : index
    %get3A_9 = vector.load %arg6[%get3A_7, %get3A_8] : memref<512x1xf32, #tpu.memory_space<vmem>>, vector<512x1xf32>
    %get3A_10 = arith.constant 0 : index
    %get3A_11 = arith.constant 0 : index
    %get3A_12 = vector.load %arg2[%get3A_10, %get3A_11] : memref<1x512xf32, #tpu.memory_space<vmem>>, vector<1x512xf32>
    %sub3A_13 = vector.broadcast %get3A_9 : vector<512x1xf32> to vector<512x512xf32>
    %sub3A_14 = vector.broadcast %get3A_12 : vector<1x512xf32> to vector<512x512xf32>
    %sub3A_15 = arith.subf %sub3A_13, %sub3A_14 : vector<512x512xf32>
    %get3A_16 = arith.constant 0 : index
    %get3A_17 = arith.constant 0 : index
    %get3A_18 = vector.load %arg7[%get3A_16, %get3A_17] : memref<512x1xf32, #tpu.memory_space<vmem>>, vector<512x1xf32>
    %get3A_19 = arith.constant 0 : index
    %get3A_20 = arith.constant 0 : index
    %get3A_21 = vector.load %arg3[%get3A_19, %get3A_20] : memref<1x512xf32, #tpu.memory_space<vmem>>, vector<1x512xf32>
    %sub3A_22 = vector.broadcast %get3A_18 : vector<512x1xf32> to vector<512x512xf32>
    %sub3A_23 = vector.broadcast %get3A_21 : vector<1x512xf32> to vector<512x512xf32>
    %sub3A_24 = arith.subf %sub3A_22, %sub3A_23 : vector<512x512xf32>
    %mul3A = arith.mulf %sub3A_6, %sub3A_6 : vector<512x512xf32>
    %mul3A_25 = arith.mulf %sub3A_15, %sub3A_15 : vector<512x512xf32>
    %add3A = arith.addf %mul3A, %mul3A_25 : vector<512x512xf32>
    %mul3A_26 = arith.mulf %sub3A_24, %sub3A_24 : vector<512x512xf32>
    %add3A_27 = arith.addf %add3A, %mul3A_26 : vector<512x512xf32>
    %reduce_min3A = arith.constant dense<0x7F800000> : vector<512xf32>
    %reduce_min3A_28 = vector.multi_reduction <minimumf>, %add3A_27, %reduce_min3A [1] : vector<512x512xf32> to vector<512xf32>
    %broadcast_in_dim3A = vector.shape_cast %reduce_min3A_28 : vector<512xf32> to vector<512x1xf32>
    %eq3A = vector.broadcast %broadcast_in_dim3A : vector<512x1xf32> to vector<512x512xf32>
    %eq3A_29 = arith.cmpf oeq, %add3A_27, %eq3A : vector<512x512xf32>
    %jit3A = arith.constant 0x7F800000 : f32
    %broadcast_in_dim3A_30 = vector.broadcast %jit3A : f32 to vector<512x512xf32>
    %select_n3A = arith.select %eq3A_29, %broadcast_in_dim3A_30, %add3A_27 : vector<512x512xi1>, vector<512x512xf32>
    %reduce_min3A_31 = arith.constant dense<0x7F800000> : vector<512xf32>
    %reduce_min3A_32 = vector.multi_reduction <minimumf>, %select_n3A, %reduce_min3A_31 [1] : vector<512x512xf32> to vector<512xf32>
    %broadcast_in_dim3A_33 = vector.shape_cast %reduce_min3A_32 : vector<512xf32> to vector<512x1xf32>
    %eq3A_34 = vector.broadcast %broadcast_in_dim3A_33 : vector<512x1xf32> to vector<512x512xf32>
    %eq3A_35 = arith.cmpf oeq, %select_n3A, %eq3A_34 : vector<512x512xf32>
    %jit3A_36 = arith.constant 0x7F800000 : f32
    %broadcast_in_dim3A_37 = vector.broadcast %jit3A_36 : f32 to vector<512x512xf32>
    %select_n3A_38 = arith.select %eq3A_35, %broadcast_in_dim3A_37, %select_n3A : vector<512x512xi1>, vector<512x512xf32>
    %reduce_min3A_39 = arith.constant dense<0x7F800000> : vector<512xf32>
    %reduce_min3A_40 = vector.multi_reduction <minimumf>, %select_n3A_38, %reduce_min3A_39 [1] : vector<512x512xf32> to vector<512xf32>
    %broadcast_in_dim3A_41 = vector.shape_cast %reduce_min3A_40 : vector<512xf32> to vector<512x1xf32>
    %le3A = vector.broadcast %broadcast_in_dim3A_41 : vector<512x1xf32> to vector<512x512xf32>
    %le3A_42 = arith.cmpf ole, %add3A_27, %le3A : vector<512x512xf32>
    %max3A = arith.constant 1.000000e-16 : f32
    %max3A_43 = vector.broadcast %max3A : f32 to vector<512x512xf32>
    %max3A_44 = arith.maximumf %add3A_27, %max3A_43 : vector<512x512xf32>
    %div3A = arith.constant 1.000000e+00 : f32
    %div3A_45 = vector.broadcast %div3A : f32 to vector<512x512xf32>
    %div3A_46 = arith.divf %div3A_45, %max3A_44 : vector<512x512xf32>
    %jit3A_47 = arith.constant 0.000000e+00 : f32
    %broadcast_in_dim3A_48 = vector.broadcast %jit3A_47 : f32 to vector<512x512xf32>
    %select_n3A_49 = arith.select %le3A_42, %div3A_46, %broadcast_in_dim3A_48 : vector<512x512xi1>, vector<512x512xf32>
    %reduce_sum3A = arith.constant dense<0.000000e+00> : vector<512xf32>
    %reduce_sum3A_50 = vector.multi_reduction <add>, %select_n3A_49, %reduce_sum3A [1] : vector<512x512xf32> to vector<512xf32>
    %broadcast_in_dim3A_51 = vector.shape_cast %reduce_sum3A_50 : vector<512xf32> to vector<512x1xf32>
    %get3A_52 = arith.constant 0 : index
    %get3A_53 = arith.constant 0 : index
    %get3A_54 = vector.load %arg4[%get3A_52, %get3A_53] : memref<512x256xf32, #tpu.memory_space<vmem>>, vector<512x256xf32>
    %dot_general3A = arith.constant dense<0.000000e+00> : vector<512x256xf32>
    %dot_general3A_55 = tpu.matmul %select_n3A_49, %get3A_54, %dot_general3A {dimension_numbers = #tpu.dot_dimension_numbers<[1], [0], [0], [1], [0, 0, 1, 1], [], []>, precision = #tpu.contract_precision<fp32>, transpose_lhs_hint = false} : vector<512x512xf32>, vector<512x256xf32>, vector<512x256xf32> -> vector<512x256xf32>
    %div3A_56 = vector.broadcast %broadcast_in_dim3A_51 : vector<512x1xf32> to vector<512x256xf32>
    %div3A_57 = arith.divf %dot_general3A_55, %div3A_56 : vector<512x256xf32>
    %get3A_58 = arith.constant 0 : index
    %get3A_59 = arith.constant 0 : index
    %get3A_60 = vector.load %arg9[%get3A_58, %get3A_59] : memref<256x256xf32, #tpu.memory_space<vmem>>, vector<256x256xf32>
    %dot_general3A_61 = arith.constant dense<0.000000e+00> : vector<512x256xf32>
    %dot_general3A_62 = tpu.matmul %div3A_57, %get3A_60, %dot_general3A_61 {dimension_numbers = #tpu.dot_dimension_numbers<[1], [0], [0], [1], [0, 0, 1, 1], [], []>, precision = #tpu.contract_precision<fp32>, transpose_lhs_hint = false} : vector<512x256xf32>, vector<256x256xf32>, vector<512x256xf32> -> vector<512x256xf32>
    %get3A_63 = arith.constant 0 : index
    %get3A_64 = arith.constant 0 : index
    %get3A_65 = vector.load %arg8[%get3A_63, %get3A_64] : memref<512x128xf32, #tpu.memory_space<vmem>>, vector<512x128xf32>
    %get3A_66 = arith.constant 0 : index
    %get3A_67 = arith.constant 0 : index
    %get3A_68 = vector.load %arg10[%get3A_66, %get3A_67] : memref<128x256xf32, #tpu.memory_space<vmem>>, vector<128x256xf32>
    %dot_general3A_69 = arith.constant dense<0.000000e+00> : vector<512x256xf32>
    %dot_general3A_70 = tpu.matmul %get3A_65, %get3A_68, %dot_general3A_69 {dimension_numbers = #tpu.dot_dimension_numbers<[1], [0], [0], [1], [0, 0, 1, 1], [], []>, precision = #tpu.contract_precision<fp32>, transpose_lhs_hint = false} : vector<512x128xf32>, vector<128x256xf32>, vector<512x256xf32> -> vector<512x256xf32>
    %add3A_71 = arith.addf %dot_general3A_62, %dot_general3A_70 : vector<512x256xf32>
    %get3A_72 = arith.constant 0 : index
    %get3A_73 = arith.constant 0 : index
    %get3A_74 = vector.load %arg11[%get3A_72, %get3A_73] : memref<1x256xf32, #tpu.memory_space<vmem>>, vector<1x256xf32>
    %add3A_75 = vector.broadcast %get3A_74 : vector<1x256xf32> to vector<512x256xf32>
    %add3A_76 = arith.addf %add3A_71, %add3A_75 : vector<512x256xf32>
    %max3A_77 = arith.constant 0.000000e+00 : f32
    %max3A_78 = vector.broadcast %max3A_77 : f32 to vector<512x256xf32>
    %max3A_79 = arith.maximumf %add3A_76, %max3A_78 : vector<512x256xf32>
    %get3A_80 = arith.constant 0 : index
    %get3A_81 = arith.constant 0 : index
    %get3A_82 = vector.load %arg12[%get3A_80, %get3A_81] : memref<256x128xf32, #tpu.memory_space<vmem>>, vector<256x128xf32>
    %dot_general3A_83 = arith.constant dense<0.000000e+00> : vector<512x128xf32>
    %dot_general3A_84 = tpu.matmul %max3A_79, %get3A_82, %dot_general3A_83 {dimension_numbers = #tpu.dot_dimension_numbers<[1], [0], [0], [1], [0, 0, 1, 1], [], []>, precision = #tpu.contract_precision<fp32>, transpose_lhs_hint = false} : vector<512x256xf32>, vector<256x128xf32>, vector<512x128xf32> -> vector<512x128xf32>
    %get3A_85 = arith.constant 0 : index
    %get3A_86 = arith.constant 0 : index
    %get3A_87 = vector.load %arg13[%get3A_85, %get3A_86] : memref<1x128xf32, #tpu.memory_space<vmem>>, vector<1x128xf32>
    %add3A_88 = vector.broadcast %get3A_87 : vector<1x128xf32> to vector<512x128xf32>
    %add3A_89 = arith.addf %dot_general3A_84, %add3A_88 : vector<512x128xf32>
    %max3A_90 = arith.constant 0.000000e+00 : f32
    %max3A_91 = vector.broadcast %max3A_90 : f32 to vector<512x128xf32>
    %max3A_92 = arith.maximumf %add3A_89, %max3A_91 : vector<512x128xf32>
    %swap3A = arith.constant 0 : index
    %swap3A_93 = arith.constant 0 : index
    %swap3A_94 = vector.load %arg14[%swap3A, %swap3A_93] : memref<512x128xf32, #tpu.memory_space<vmem>>, vector<512x128xf32>
    tpu.vector_store %arg14[%swap3A, %swap3A_93], %max3A_92 {strides = array<i32>} : memref<512x128xf32, #tpu.memory_space<vmem>>, vector<512x128xf32>,
    return
  }
  func.func @transform_0(%arg0: i32) -> (i32, i32) {
    %c0_i32 = arith.constant 0 : i32
    %c0_i32_0 = arith.constant 0 : i32
    %c0_i32_1 = arith.constant 0 : i32
    return %c0_i32, %c0_i32_0 : i32, i32
  }
  func.func @transform_1(%arg0: i32) -> (i32, i32) {
    %c0_i32 = arith.constant 0 : i32
    %c0_i32_0 = arith.constant 0 : i32
    %c0_i32_1 = arith.constant 0 : i32
    return %c0_i32, %c0_i32_0 : i32, i32
  }
  func.func @transform_2(%arg0: i32) -> (i32, i32) {
    %c0_i32 = arith.constant 0 : i32
    %c0_i32_0 = arith.constant 0 : i32
    %c0_i32_1 = arith.constant 0 : i32
    return %c0_i32, %c0_i32_0 : i32, i32
  }
  func.func @transform_3(%arg0: i32) -> (i32, i32) {
    %c0_i32 = arith.constant 0 : i32
    %c0_i32_0 = arith.constant 0 : i32
    %c0_i32_1 = arith.constant 0 : i32
    return %c0_i32, %c0_i32_0 : i32, i32
  }
  func.func @transform_4(%arg0: i32) -> (i32, i32) {
    %c0_i32 = arith.constant 0 : i32
    %c0_i32_0 = arith.constant 0 : i32
    return %arg0, %c0_i32 : i32, i32
  }
  func.func @transform_5(%arg0: i32) -> (i32, i32) {
    %c0_i32 = arith.constant 0 : i32
    %c0_i32_0 = arith.constant 0 : i32
    return %arg0, %c0_i32 : i32, i32
  }
  func.func @transform_6(%arg0: i32) -> (i32, i32) {
    %c0_i32 = arith.constant 0 : i32
    %c0_i32_0 = arith.constant 0 : i32
    return %arg0, %c0_i32 : i32, i32
  }
  func.func @transform_7(%arg0: i32) -> (i32, i32) {
    %c0_i32 = arith.constant 0 : i32
    %c0_i32_0 = arith.constant 0 : i32
    return %arg0, %c0_i32 : i32, i32
  }
  func.func @transform_8(%arg0: i32) -> (i32, i32) {
    %c0_i32 = arith.constant 0 : i32
    %c0_i32_0 = arith.constant 0 : i32
    %c0_i32_1 = arith.constant 0 : i32
    return %c0_i32, %c0_i32_0 : i32, i32
  }
  func.func @transform_9(%arg0: i32) -> (i32, i32) {
    %c0_i32 = arith.constant 0 : i32
    %c0_i32_0 = arith.constant 0 : i32
    %c0_i32_1 = arith.constant 0 : i32
    return %c0_i32, %c0_i32_0 : i32, i32
  }
  func.func @transform_10(%arg0: i32) -> (i32, i32) {
    %c0_i32 = arith.constant 0 : i32
    %c0_i32_0 = arith.constant 0 : i32
    %c0_i32_1 = arith.constant 0 : i32
    return %c0_i32, %c0_i32_0 : i32, i32
  }
  func.func @transform_11(%arg0: i32) -> (i32, i32) {
    %c0_i32 = arith.constant 0 : i32
    %c0_i32_0 = arith.constant 0 : i32
    %c0_i32_1 = arith.constant 0 : i32
    return %c0_i32, %c0_i32_0 : i32, i32
  }
  func.func @transform_12(%arg0: i32) -> (i32, i32) {
    %c0_i32 = arith.constant 0 : i32
    %c0_i32_0 = arith.constant 0 : i32
    %c0_i32_1 = arith.constant 0 : i32
    return %c0_i32, %c0_i32_0 : i32, i32
  }
  func.func @transform_13(%arg0: i32) -> (i32, i32) {
    %c0_i32 = arith.constant 0 : i32
    %c0_i32_0 = arith.constant 0 : i32
    return %arg0, %c0_i32 : i32, i32
  }
}

module attributes {stable_mosaic.version = 14 : i64} {
  func.func @_fp_knn3_kernel(%arg0: i32, %arg1: memref<1x2048xf32, #tpu.memory_space<vmem>>, %arg2: memref<1x2048xf32, #tpu.memory_space<vmem>>, %arg3: memref<1x2048xf32, #tpu.memory_space<vmem>>, %arg4: memref<2048x128xf32, #tpu.memory_space<vmem>>, %arg5: memref<512x1xf32, #tpu.memory_space<vmem>>, %arg6: memref<512x1xf32, #tpu.memory_space<vmem>>, %arg7: memref<512x1xf32, #tpu.memory_space<vmem>>, %arg8: memref<512x6xf32, #tpu.memory_space<vmem>>, %arg9: memref<128x128xf32, #tpu.memory_space<vmem>>, %arg10: memref<6x128xf32, #tpu.memory_space<vmem>>, %arg11: memref<1x128xf32, #tpu.memory_space<vmem>>, %arg12: memref<128x128xf32, #tpu.memory_space<vmem>>, %arg13: memref<1x128xf32, #tpu.memory_space<vmem>>, %arg14: memref<128x128xf32, #tpu.memory_space<vmem>>, %arg15: memref<1x128xf32, #tpu.memory_space<vmem>>, %arg16: memref<512x128xf32, #tpu.memory_space<vmem>>) attributes {dimension_semantics = [#tpu.dimension_semantics<arbitrary>], iteration_bounds = array<i64: 8>, scalar_prefetch = 0 : i64, scratch_operands = 0 : i64, tpu.core_type = #tpu.core_type<tc>, window_params = [{pipeline_mode = #tpu.pipeline_mode<synchronous>, transform_indices = @transform_0, window_bounds = array<i64: 1, 2048>}, {pipeline_mode = #tpu.pipeline_mode<synchronous>, transform_indices = @transform_1, window_bounds = array<i64: 1, 2048>}, {pipeline_mode = #tpu.pipeline_mode<synchronous>, transform_indices = @transform_2, window_bounds = array<i64: 1, 2048>}, {pipeline_mode = #tpu.pipeline_mode<synchronous>, transform_indices = @transform_3, window_bounds = array<i64: 2048, 128>}, {transform_indices = @transform_4, window_bounds = array<i64: 512, 1>}, {transform_indices = @transform_5, window_bounds = array<i64: 512, 1>}, {transform_indices = @transform_6, window_bounds = array<i64: 512, 1>}, {transform_indices = @transform_7, window_bounds = array<i64: 512, 6>}, {pipeline_mode = #tpu.pipeline_mode<synchronous>, transform_indices = @transform_8, window_bounds = array<i64: 128, 128>}, {pipeline_mode = #tpu.pipeline_mode<synchronous>, transform_indices = @transform_9, window_bounds = array<i64: 6, 128>}, {pipeline_mode = #tpu.pipeline_mode<synchronous>, transform_indices = @transform_10, window_bounds = array<i64: 1, 128>}, {pipeline_mode = #tpu.pipeline_mode<synchronous>, transform_indices = @transform_11, window_bounds = array<i64: 128, 128>}, {pipeline_mode = #tpu.pipeline_mode<synchronous>, transform_indices = @transform_12, window_bounds = array<i64: 1, 128>}, {pipeline_mode = #tpu.pipeline_mode<synchronous>, transform_indices = @transform_13, window_bounds = array<i64: 128, 128>}, {pipeline_mode = #tpu.pipeline_mode<synchronous>, transform_indices = @transform_14, window_bounds = array<i64: 1, 128>}, {transform_indices = @transform_15, window_bounds = array<i64: 512, 128>}]} {
    %get3A = arith.constant 0 : index
    %get3A_0 = arith.constant 0 : index
    %get3A_1 = vector.load %arg5[%get3A, %get3A_0] : memref<512x1xf32, #tpu.memory_space<vmem>>, vector<512x1xf32>
    %get3A_2 = arith.constant 0 : index
    %get3A_3 = arith.constant 0 : index
    %get3A_4 = vector.load %arg1[%get3A_2, %get3A_3] : memref<1x2048xf32, #tpu.memory_space<vmem>>, vector<1x2048xf32>
    %sub3A = vector.broadcast %get3A_1 : vector<512x1xf32> to vector<512x2048xf32>
    %sub3A_5 = vector.broadcast %get3A_4 : vector<1x2048xf32> to vector<512x2048xf32>
    %sub3A_6 = arith.subf %sub3A, %sub3A_5 : vector<512x2048xf32>
    %get3A_7 = arith.constant 0 : index
    %get3A_8 = arith.constant 0 : index
    %get3A_9 = vector.load %arg6[%get3A_7, %get3A_8] : memref<512x1xf32, #tpu.memory_space<vmem>>, vector<512x1xf32>
    %get3A_10 = arith.constant 0 : index
    %get3A_11 = arith.constant 0 : index
    %get3A_12 = vector.load %arg2[%get3A_10, %get3A_11] : memref<1x2048xf32, #tpu.memory_space<vmem>>, vector<1x2048xf32>
    %sub3A_13 = vector.broadcast %get3A_9 : vector<512x1xf32> to vector<512x2048xf32>
    %sub3A_14 = vector.broadcast %get3A_12 : vector<1x2048xf32> to vector<512x2048xf32>
    %sub3A_15 = arith.subf %sub3A_13, %sub3A_14 : vector<512x2048xf32>
    %get3A_16 = arith.constant 0 : index
    %get3A_17 = arith.constant 0 : index
    %get3A_18 = vector.load %arg7[%get3A_16, %get3A_17] : memref<512x1xf32, #tpu.memory_space<vmem>>, vector<512x1xf32>
    %get3A_19 = arith.constant 0 : index
    %get3A_20 = arith.constant 0 : index
    %get3A_21 = vector.load %arg3[%get3A_19, %get3A_20] : memref<1x2048xf32, #tpu.memory_space<vmem>>, vector<1x2048xf32>
    %sub3A_22 = vector.broadcast %get3A_18 : vector<512x1xf32> to vector<512x2048xf32>
    %sub3A_23 = vector.broadcast %get3A_21 : vector<1x2048xf32> to vector<512x2048xf32>
    %sub3A_24 = arith.subf %sub3A_22, %sub3A_23 : vector<512x2048xf32>
    %mul3A = arith.mulf %sub3A_6, %sub3A_6 : vector<512x2048xf32>
    %mul3A_25 = arith.mulf %sub3A_15, %sub3A_15 : vector<512x2048xf32>
    %add3A = arith.addf %mul3A, %mul3A_25 : vector<512x2048xf32>
    %mul3A_26 = arith.mulf %sub3A_24, %sub3A_24 : vector<512x2048xf32>
    %add3A_27 = arith.addf %add3A, %mul3A_26 : vector<512x2048xf32>
    %reduce_min3A = arith.constant dense<0x7F800000> : vector<512xf32>
    %reduce_min3A_28 = vector.multi_reduction <minimumf>, %add3A_27, %reduce_min3A [1] : vector<512x2048xf32> to vector<512xf32>
    %broadcast_in_dim3A = vector.shape_cast %reduce_min3A_28 : vector<512xf32> to vector<512x1xf32>
    %eq3A = vector.broadcast %broadcast_in_dim3A : vector<512x1xf32> to vector<512x2048xf32>
    %eq3A_29 = arith.cmpf oeq, %add3A_27, %eq3A : vector<512x2048xf32>
    %jit3A = arith.constant 0x7F800000 : f32
    %broadcast_in_dim3A_30 = vector.broadcast %jit3A : f32 to vector<512x2048xf32>
    %select_n3A = arith.select %eq3A_29, %broadcast_in_dim3A_30, %add3A_27 : vector<512x2048xi1>, vector<512x2048xf32>
    %reduce_min3A_31 = arith.constant dense<0x7F800000> : vector<512xf32>
    %reduce_min3A_32 = vector.multi_reduction <minimumf>, %select_n3A, %reduce_min3A_31 [1] : vector<512x2048xf32> to vector<512xf32>
    %broadcast_in_dim3A_33 = vector.shape_cast %reduce_min3A_32 : vector<512xf32> to vector<512x1xf32>
    %eq3A_34 = vector.broadcast %broadcast_in_dim3A_33 : vector<512x1xf32> to vector<512x2048xf32>
    %eq3A_35 = arith.cmpf oeq, %select_n3A, %eq3A_34 : vector<512x2048xf32>
    %jit3A_36 = arith.constant 0x7F800000 : f32
    %broadcast_in_dim3A_37 = vector.broadcast %jit3A_36 : f32 to vector<512x2048xf32>
    %select_n3A_38 = arith.select %eq3A_35, %broadcast_in_dim3A_37, %select_n3A : vector<512x2048xi1>, vector<512x2048xf32>
    %reduce_min3A_39 = arith.constant dense<0x7F800000> : vector<512xf32>
    %reduce_min3A_40 = vector.multi_reduction <minimumf>, %select_n3A_38, %reduce_min3A_39 [1] : vector<512x2048xf32> to vector<512xf32>
    %broadcast_in_dim3A_41 = vector.shape_cast %reduce_min3A_40 : vector<512xf32> to vector<512x1xf32>
    %le3A = vector.broadcast %broadcast_in_dim3A_41 : vector<512x1xf32> to vector<512x2048xf32>
    %le3A_42 = arith.cmpf ole, %add3A_27, %le3A : vector<512x2048xf32>
    %max3A = arith.constant 1.000000e-16 : f32
    %max3A_43 = vector.broadcast %max3A : f32 to vector<512x2048xf32>
    %max3A_44 = arith.maximumf %add3A_27, %max3A_43 : vector<512x2048xf32>
    %div3A = arith.constant 1.000000e+00 : f32
    %div3A_45 = vector.broadcast %div3A : f32 to vector<512x2048xf32>
    %div3A_46 = arith.divf %div3A_45, %max3A_44 : vector<512x2048xf32>
    %jit3A_47 = arith.constant 0.000000e+00 : f32
    %broadcast_in_dim3A_48 = vector.broadcast %jit3A_47 : f32 to vector<512x2048xf32>
    %select_n3A_49 = arith.select %le3A_42, %div3A_46, %broadcast_in_dim3A_48 : vector<512x2048xi1>, vector<512x2048xf32>
    %reduce_sum3A = arith.constant dense<0.000000e+00> : vector<512xf32>
    %reduce_sum3A_50 = vector.multi_reduction <add>, %select_n3A_49, %reduce_sum3A [1] : vector<512x2048xf32> to vector<512xf32>
    %broadcast_in_dim3A_51 = vector.shape_cast %reduce_sum3A_50 : vector<512xf32> to vector<512x1xf32>
    %get3A_52 = arith.constant 0 : index
    %get3A_53 = arith.constant 0 : index
    %get3A_54 = vector.load %arg4[%get3A_52, %get3A_53] : memref<2048x128xf32, #tpu.memory_space<vmem>>, vector<2048x128xf32>
    %dot_general3A = arith.constant dense<0.000000e+00> : vector<512x128xf32>
    %dot_general3A_55 = tpu.matmul %select_n3A_49, %get3A_54, %dot_general3A {dimension_numbers = #tpu.dot_dimension_numbers<[1], [0], [0], [1], [0, 0, 1, 1], [], []>, precision = #tpu.contract_precision<fp32>, transpose_lhs_hint = false} : vector<512x2048xf32>, vector<2048x128xf32>, vector<512x128xf32> -> vector<512x128xf32>
    %div3A_56 = vector.broadcast %broadcast_in_dim3A_51 : vector<512x1xf32> to vector<512x128xf32>
    %div3A_57 = arith.divf %dot_general3A_55, %div3A_56 : vector<512x128xf32>
    %get3A_58 = arith.constant 0 : index
    %get3A_59 = arith.constant 0 : index
    %get3A_60 = vector.load %arg9[%get3A_58, %get3A_59] : memref<128x128xf32, #tpu.memory_space<vmem>>, vector<128x128xf32>
    %dot_general3A_61 = arith.constant dense<0.000000e+00> : vector<512x128xf32>
    %dot_general3A_62 = tpu.matmul %div3A_57, %get3A_60, %dot_general3A_61 {dimension_numbers = #tpu.dot_dimension_numbers<[1], [0], [0], [1], [0, 0, 1, 1], [], []>, precision = #tpu.contract_precision<fp32>, transpose_lhs_hint = false} : vector<512x128xf32>, vector<128x128xf32>, vector<512x128xf32> -> vector<512x128xf32>
    %get3A_63 = arith.constant 0 : index
    %get3A_64 = arith.constant 0 : index
    %get3A_65 = vector.load %arg8[%get3A_63, %get3A_64] : memref<512x6xf32, #tpu.memory_space<vmem>>, vector<512x6xf32>
    %get3A_66 = arith.constant 0 : index
    %get3A_67 = arith.constant 0 : index
    %get3A_68 = vector.load %arg10[%get3A_66, %get3A_67] : memref<6x128xf32, #tpu.memory_space<vmem>>, vector<6x128xf32>
    %dot_general3A_69 = arith.constant dense<0.000000e+00> : vector<512x128xf32>
    %dot_general3A_70 = tpu.matmul %get3A_65, %get3A_68, %dot_general3A_69 {dimension_numbers = #tpu.dot_dimension_numbers<[1], [0], [0], [1], [0, 0, 1, 1], [], []>, precision = #tpu.contract_precision<fp32>, transpose_lhs_hint = false} : vector<512x6xf32>, vector<6x128xf32>, vector<512x128xf32> -> vector<512x128xf32>
    %add3A_71 = arith.addf %dot_general3A_62, %dot_general3A_70 : vector<512x128xf32>
    %get3A_72 = arith.constant 0 : index
    %get3A_73 = arith.constant 0 : index
    %get3A_74 = vector.load %arg11[%get3A_72, %get3A_73] : memref<1x128xf32, #tpu.memory_space<vmem>>, vector<1x128xf32>
    %add3A_75 = vector.broadcast %get3A_74 : vector<1x128xf32> to vector<512x128xf32>
    %add3A_76 = arith.addf %add3A_71, %add3A_75 : vector<512x128xf32>
    %max3A_77 = arith.constant 0.000000e+00 : f32
    %max3A_78 = vector.broadcast %max3A_77 : f32 to vector<512x128xf32>
    %max3A_79 = arith.maximumf %add3A_76, %max3A_78 : vector<512x128xf32>
    %get3A_80 = arith.constant 0 : index
    %get3A_81 = arith.constant 0 : index
    %get3A_82 = vector.load %arg12[%get3A_80, %get3A_81] : memref<128x128xf32, #tpu.memory_space<vmem>>, vector<128x128xf32>
    %dot_general3A_83 = arith.constant dense<0.000000e+00> : vector<512x128xf32>
    %dot_general3A_84 = tpu.matmul %max3A_79, %get3A_82, %dot_general3A_83 {dimension_numbers = #tpu.dot_dimension_numbers<[1], [0], [0], [1], [0, 0, 1, 1], [], []>, precision = #tpu.contract_precision<fp32>, transpose_lhs_hint = false} : vector<512x128xf32>, vector<128x128xf32>, vector<512x128xf32> -> vector<512x128xf32>
    %get3A_85 = arith.constant 0 : index
    %get3A_86 = arith.constant 0 : index
    %get3A_87 = vector.load %arg13[%get3A_85, %get3A_86] : memref<1x128xf32, #tpu.memory_space<vmem>>, vector<1x128xf32>
    %add3A_88 = vector.broadcast %get3A_87 : vector<1x128xf32> to vector<512x128xf32>
    %add3A_89 = arith.addf %dot_general3A_84, %add3A_88 : vector<512x128xf32>
    %max3A_90 = arith.constant 0.000000e+00 : f32
    %max3A_91 = vector.broadcast %max3A_90 : f32 to vector<512x128xf32>
    %max3A_92 = arith.maximumf %add3A_89, %max3A_91 : vector<512x128xf32>
    %get3A_93 = arith.constant 0 : index
    %get3A_94 = arith.constant 0 : index
    %get3A_95 = vector.load %arg14[%get3A_93, %get3A_94] : memref<128x128xf32, #tpu.memory_space<vmem>>, vector<128x128xf32>
    %dot_general3A_96 = arith.constant dense<0.000000e+00> : vector<512x128xf32>
    %dot_general3A_97 = tpu.matmul %max3A_92, %get3A_95, %dot_general3A_96 {dimension_numbers = #tpu.dot_dimension_numbers<[1], [0], [0], [1], [0, 0, 1, 1], [], []>, precision = #tpu.contract_precision<fp32>, transpose_lhs_hint = false} : vector<512x128xf32>, vector<128x128xf32>, vector<512x128xf32> -> vector<512x128xf32>
    %get3A_98 = arith.constant 0 : index
    %get3A_99 = arith.constant 0 : index
    %get3A_100 = vector.load %arg15[%get3A_98, %get3A_99] : memref<1x128xf32, #tpu.memory_space<vmem>>, vector<1x128xf32>
    %add3A_101 = vector.broadcast %get3A_100 : vector<1x128xf32> to vector<512x128xf32>
    %add3A_102 = arith.addf %dot_general3A_97, %add3A_101 : vector<512x128xf32>
    %max3A_103 = arith.constant 0.000000e+00 : f32
    %max3A_104 = vector.broadcast %max3A_103 : f32 to vector<512x128xf32>
    %max3A_105 = arith.maximumf %add3A_102, %max3A_104 : vector<512x128xf32>
    %swap3A = arith.constant 0 : index
    %swap3A_106 = arith.constant 0 : index
    %swap3A_107 = vector.load %arg16[%swap3A, %swap3A_106] : memref<512x128xf32, #tpu.memory_space<vmem>>, vector<512x128xf32>
    tpu.vector_store %arg16[%swap3A, %swap3A_106], %max3A_105 {strides = array<i32>} : memref<512x128xf32, #tpu.memory_space<vmem>>, vector<512x128xf32>,
    return
  }
  func.func @transform_0(%arg0: i32) -> (i32, i32) {
    %c0_i32 = arith.constant 0 : i32
    %c0_i32_0 = arith.constant 0 : i32
    %c0_i32_1 = arith.constant 0 : i32
    return %c0_i32, %c0_i32_0 : i32, i32
  }
  func.func @transform_1(%arg0: i32) -> (i32, i32) {
    %c0_i32 = arith.constant 0 : i32
    %c0_i32_0 = arith.constant 0 : i32
    %c0_i32_1 = arith.constant 0 : i32
    return %c0_i32, %c0_i32_0 : i32, i32
  }
  func.func @transform_2(%arg0: i32) -> (i32, i32) {
    %c0_i32 = arith.constant 0 : i32
    %c0_i32_0 = arith.constant 0 : i32
    %c0_i32_1 = arith.constant 0 : i32
    return %c0_i32, %c0_i32_0 : i32, i32
  }
  func.func @transform_3(%arg0: i32) -> (i32, i32) {
    %c0_i32 = arith.constant 0 : i32
    %c0_i32_0 = arith.constant 0 : i32
    %c0_i32_1 = arith.constant 0 : i32
    return %c0_i32, %c0_i32_0 : i32, i32
  }
  func.func @transform_4(%arg0: i32) -> (i32, i32) {
    %c0_i32 = arith.constant 0 : i32
    %c0_i32_0 = arith.constant 0 : i32
    return %arg0, %c0_i32 : i32, i32
  }
  func.func @transform_5(%arg0: i32) -> (i32, i32) {
    %c0_i32 = arith.constant 0 : i32
    %c0_i32_0 = arith.constant 0 : i32
    return %arg0, %c0_i32 : i32, i32
  }
  func.func @transform_6(%arg0: i32) -> (i32, i32) {
    %c0_i32 = arith.constant 0 : i32
    %c0_i32_0 = arith.constant 0 : i32
    return %arg0, %c0_i32 : i32, i32
  }
  func.func @transform_7(%arg0: i32) -> (i32, i32) {
    %c0_i32 = arith.constant 0 : i32
    %c0_i32_0 = arith.constant 0 : i32
    return %arg0, %c0_i32 : i32, i32
  }
  func.func @transform_8(%arg0: i32) -> (i32, i32) {
    %c0_i32 = arith.constant 0 : i32
    %c0_i32_0 = arith.constant 0 : i32
    %c0_i32_1 = arith.constant 0 : i32
    return %c0_i32, %c0_i32_0 : i32, i32
  }
  func.func @transform_9(%arg0: i32) -> (i32, i32) {
    %c0_i32 = arith.constant 0 : i32
    %c0_i32_0 = arith.constant 0 : i32
    %c0_i32_1 = arith.constant 0 : i32
    return %c0_i32, %c0_i32_0 : i32, i32
  }
  func.func @transform_10(%arg0: i32) -> (i32, i32) {
    %c0_i32 = arith.constant 0 : i32
    %c0_i32_0 = arith.constant 0 : i32
    %c0_i32_1 = arith.constant 0 : i32
    return %c0_i32, %c0_i32_0 : i32, i32
  }
  func.func @transform_11(%arg0: i32) -> (i32, i32) {
    %c0_i32 = arith.constant 0 : i32
    %c0_i32_0 = arith.constant 0 : i32
    %c0_i32_1 = arith.constant 0 : i32
    return %c0_i32, %c0_i32_0 : i32, i32
  }
  func.func @transform_12(%arg0: i32) -> (i32, i32) {
    %c0_i32 = arith.constant 0 : i32
    %c0_i32_0 = arith.constant 0 : i32
    %c0_i32_1 = arith.constant 0 : i32
    return %c0_i32, %c0_i32_0 : i32, i32
  }
  func.func @transform_13(%arg0: i32) -> (i32, i32) {
    %c0_i32 = arith.constant 0 : i32
    %c0_i32_0 = arith.constant 0 : i32
    %c0_i32_1 = arith.constant 0 : i32
    return %c0_i32, %c0_i32_0 : i32, i32
  }
  func.func @transform_14(%arg0: i32) -> (i32, i32) {
    %c0_i32 = arith.constant 0 : i32
    %c0_i32_0 = arith.constant 0 : i32
    %c0_i32_1 = arith.constant 0 : i32
    return %c0_i32, %c0_i32_0 : i32, i32
  }
  func.func @transform_15(%arg0: i32) -> (i32, i32) {
    %c0_i32 = arith.constant 0 : i32
    %c0_i32_0 = arith.constant 0 : i32
    return %arg0, %c0_i32 : i32, i32
  }
}

</mosaic_0001>

<sc_bundles>
// kernel: sparse-core-data-format-call.cloned.1.call-start
scs
called_computation_lowered:
.L_overlay_start_0:
0x0: {  	s1 =	sld [smem:$0x3FD9]  }
0x1: {  	s2 =	sld [smem:$0x3FFE];
	_ =	sdelay $0x1  }
0x2: {  	s3 =	srdreg.scid  }
0x3: {  	s0 =	sand.u32 $0x1, s3  }
0x4: {  	s17 =	sshll.u32 s0, $0xA;
	s1 =	sadd.s32 s2, s1  }
0x5: {  	s1 =	sadd.s32 s1, s17  }
0x6: {  	[smem:$0x3FA5] =	sst s1  }
0x7: {  	_ = 	snop  }
0x8: {  	(tm) =	ssettm $0x1  }
0x9: {  	s18 =	sld [smem:$0x3FFB];
	_ =	sdelay $0x3  }
0xa: {  	_ =	strace s18  }
0xb: {  	s1 =	sld [smem:$0x3FFC];
	_ =	sdelay $0x3  }
0xc: {  	_ =	strace s1  }
0xd: {  	s1 =	sld [smem:$0x3FFD];
	_ =	sdelay $0x3  }
0xe: {  	_ =	strace s1  }
0xf: {  	_ =	strace $0x8FFFFFFF  }
0x10: {  	s19 =	sld [smem:$0x3FDB];
	_ =	sdelay $0x1  }
0x11: {  	s20 =	simm.s32 $_scs_section_size  }
0x12: {  	s4 =	simm.s32 $_size__tile_overlayer_lowered;
	s5 =	simm.s32 $_tile_overlayer_lowered  }
0x13: {  	s23 =	simm.s32 $0x1BFF;
	s22 =	sshll.u32 s5, $0x1;
	s1 =	sadd.s32 s20, s19  }
0x14: {  	s6 =	simm.s32 $0x0;
	s21 =	sshll.u32 s4, $0x1;
	s4 =	sadd.s32 s22, s1  }
0x15: {  	[timem:s6], [sflag:s23] =	dma.local [hbm:s4], s21  }
0x16: {  	_ =	swait.ge [sflag:s23], s21  }
0x17: {  	s2 =	ssub.s32 $0x0, s21;
	[sflag:s23] =	ssyncset.done $0x0  }
0x18: {  	[sflag:s23] =	ssyncadd.s32 s2;
	_ =	sdelay $0x1  }
0x19: {  	s24 =	simm.s32 $0x1B8B  }
0x1a: {  	_ =	swait.ge [sflag:s24], $0x1  }
0x1b: {  	[sflag:s24] =	ssyncset.done $0x0  }
0x1c: {  	s26 =	simm.s32 $0x1B8E;
	s25 =	sld [smem:$0x3FFE];
	[sflag:s24] =	ssyncadd.s32 $0xFFFFFFFF  }
0x1d: {  	s27 =	simm.s32 $execute0_lowered;
	[smem:$0x3FD2] =	sst s26  }
0x1e: {  	s4 =	sshll.u32 s27, $0x1;
	_ =	strace $0x80000046;
	[dreg:$0x1] =	wrdreg $0xFFFFFFFF  }
0x1f: {  	s28 =	simm.s32 $_size_execute0_lowered;
	s1 =	sadd.s32 s1, s4;
	[dreg:$0x0] =	wrdreg $0x0  }
0x20: {  	s4 =	sshll.u32 s28, $0x1;
	[dreg:$0x2] =	wrdreg s1  }
0x21: {  	[dreg:$0x3] =	wrdreg s4  }
0x22: {  	[dreg:$0x4] =	wrdreg $0xC0  }
0x23: {  	_ =	task [dreg:s6], $0x5FFFF  }
0x24: {  	[dreg:$0x1] =	wrdreg $0xFFFFFFFF  }
0x25: {  	[dreg:$0x0] =	wrdreg $0x60  }
0x26: {  	[dreg:$0x2] =	wrdreg s25  }
0x27: {  	[dreg:$0x3] =	wrdreg $0x9  }
0x28: {  	_ =	task.clear_ibuf [dreg:s6], $0x4FFFF;
	_ =	strace $0x90000046  }
0x29: {  	s29 =	simm.s32 $0x9;
	_ =	strace $0x80000048  }
0x2a: {  	_ =	swait.ge [sflag:s29], $0x1  }
0x2b: {  	[sflag:s29] =	ssyncadd.s32 $0xFFFFFFFF  }
0x2c: {  	_ =	strace $0x90000048  }
0x2d: {  	_ =	sfence  }
0x2e: {  	s30 =	sld [smem:$0x0];
	_ =	sdelay $0x2  }
0x2f: {  	s31 =	sshll.u32 s3, $0xD;
	s3 =	sshrl.u32 s3, $0x2  }
0x30: {  	s2 =	sand.u32 $0x4000, s31;
	s1 =	sadd.s32 s3, s30  }
0x31: {  	s0 =	sor.u32 s2, s0;
	s1 =	sshll.u32 s1, $0x11  }
0x32: {  	s0 =	sor.u32 s1, s0  }
0x33: {  	s0 =	sadd.s32 $0x8F2B, s0  }
0x34: {  	[sflag:s0] =	ssyncadd.remote.s32 $0x1  }
0x35: {  	_ =	sfence.sel $0xFFFF  }
0x36: {  	[dreg:$0x0] =	wrdreg $0xFFFFFFFF;
	(pc) =	sbr.abs _section_cstart, $3  }
0x37: {  	[dreg:$0x1] =	wrdreg $0xFFFFFFFF  }
0x38: {  	_ =	task.clear_ibuf [dreg:s6], $0x2FFFF;
	_ =	strace $0x9FFFFFFF  }
0x39: {  	(tm) =	ssettm $0x7FFFFFFF  }
tec
execute0_lowered:
.L_overlay_start_1:
0x0: {  	(tag) =	ssettag $0x1  }
0x1: {  	s7 =	rddreg [dreg:$0x0]  }
0x2: {  	s1 =	stileid.u32;
	s3 =	srdreg.scid  }
0x3: {  	s0 =	rddreg [dreg:$0x1];
	_ =	strace $0x80000047;
	s8 =	simm.s32 $0x1  }
0x4: {  	s31 =	simm.s32 $0x2;
	s14 =	simm.s32 $0x0;
	s13 =	simm.s32 $0x0  }
0x5: {  	s12 =	simm.s32 $0x0;
	s2 =	sshll.u32 s1, $0x7;
	s3 =	sshll.u32 s3, $0x7  }
0x6: {  	s3 =	sand.u32 $0x80, s3;
	s4 =	ssub.s32 $0x800, s2;
	s11 =	smov.u32 s2  }
0x7: {  	s5 =	sshrl.u32 s4, $0xB;
	s4 =	sand.u32 $0x780, s4;
	s6 =	ssub.s32 $0x1000, s3  }
0x8: {  	p0 =	sne.s32 s4, $0x0;
	s30 =	sshrl.u32 s6, $0x7;
	s6 =	sshrl.u32 s6, $0x8  }
.Ltmp0:
0x9: {  	s8 =	simm.s32 @!p0 $0x0;
	s9 =	sand.u32 $0x1, s30;
	(pc) =	sbr.rel .LBB1_1-.Ltmp0, $4  }
0xa: {  	s4 =	simm.s32 $0x1;
	s5 =	sadd.s32 s8, s5;
	s6 =	sadd.s32 s6, s9  }
0xb: {  	s10 =	smov.u32 s3;
	[sflag:s4] =	ssyncpa.u1 $0x0;
	s5 =	smul.u32 s5, s6  }
0xc: {  	p0 =	por $0x0, $0x0;
	[sflag:s31] =	ssyncpa.u1 $0x0;
	s9 =	simm.s32 $0x4000  }
0xd: {  	s6 =	sadd.s32 $0x48400, s7;
	s7 =	sadd.s32 $0x148400, s7;
	s8 =	sadd.s32 $0x1, s5  }
.LBB1_4:
0xe: {  	v5 =	vld [tilespmem:s17+$0xFFFFFFD0]  }
0xf: {  	[tilespmem:s18+$0x2040 ss:$0x81] =	vst.msk $0xffff, v1;
	v58 =	vld [tilespmem:s17+$0xFFFFFFE0]  }
0x10: {  	[tilespmem:s18+$0x2850 ss:$0x81] =	vst.msk $0xffff, v2;
	v59 =	vld [tilespmem:s17+$0xFFFFFFF0]  }
0x11: {  	s19 =	sshra.s32 s19, $0x2;
	[tilespmem:s18+$0x3060 ss:$0x81] =	vst.msk $0xffff, v3;
	v60 =	vld [tilespmem:s17+$0x0]  }
0x12: {  	[tilespmem:s18+$0x0 ss:$0x81] =	vst.msk $0xffff, v0;
	v61 =	vld [tilespmem:s17+$0x10];
	s16 =	sadd.s32 s19, s16  }
0x13: {  	s26 =	sshll.u32 s14, $0xB;
	v62 =	vld [tilespmem:s17+$0x20];
	[tilespmem:s16+$0x3870 ss:$0x81] =	vst.msk $0xffff, v4  }
0x14: {  	s27 =	sand.u32 $0x78, s13;
	s20 =	sshll.u32 s13, $0x3;
	v63 =	vld [tilespmem:s17+$0xFFFFFFC0];
	s29 =	sshll.u32 s14, $0x7;
	[tilespmem:s16+$0x810 ss:$0x81] =	vst.msk $0xffff, v5  }
0x15: {  	s18 =	sand.u32 $0x7FC000, s26;
	s28 =	sand.u32 $0x7FFC00, s20;
	s20 =	sand.u32 $0x400, s20;
	[tilespmem:s16+$0x1020 ss:$0x81] =	vst.msk $0xffff, v58  }
0x16: {  	s14 =	sand.u32 $0x380, s29;
	s17 =	sadd.s32 s28, s18;
	s30 =	sor.u32 s27, s20;
	[tilespmem:s16+$0x1830 ss:$0x81] =	vst.msk $0xffff, v59  }
0x17: {  	s17 =	sand.u32 $0x7FF800, s17;
	s14 =	sor.u32 s14, s30;
	[tilespmem:s16+$0x2040 ss:$0x81] =	vst.msk $0xffff, v60  }
0x18: {  	s31 =	sand.u32 $0x7, s13;
	s14 =	sor.u32 s17, s14;
	[tilespmem:s16+$0x2850 ss:$0x81] =	vst.msk $0xffff, v61  }
0x19: {  	s13 =	sshll.u32 s31, $0x12;
	[tilespmem:s16+$0x3060 ss:$0x81] =	vst.msk $0xffff, v62;
	s14 =	sshrl.u32 s14, $0x3  }
0x1a: {  	s13 =	sor.u32 $0x400, s13;
	[tilespmem:s16+$0x0 ss:$0x81] =	vst.msk $0xffff, v63;
	s14 =	sadd.s32 s7, s14  }
0x1b: {  	[hbm4b:s14+s13] =	stream.strided.scatter [tilespmem:s15], [sflag:$0x2], $0x4000, s9, s13, $0x20;
	[tilespmem:$0x10100] =	vst v63  }
.LBB1_5:
0x1c: {  	s15 =	sadd.s32 $0x100, s10  }
0x1d: {  	s13 =	sadd.s32 $0x800, s11;
	s17 =	smov.u32 s11;
	p2 =	sgt.s32 s15, $0xFFF  }
0x1e: {  	s17 =	smov.u32 @p2 s13  }
0x1f: {  	s15 =	smov.u32 @p2 s3;
	p2 =	sgt.s32 s17, $0x7FF  }
0x20: {  	s17 =	smov.u32 @p2 s2;
	p2 =	sne.s32 s12, s8  }
.Ltmp1:
0x21: {  	p1 =	slt.u32 s12, $0x2;
	(pc) =	sbr.rel @!p2 .LBB1_6-.Ltmp1, $4  }
0x22: {  	s16 =	simm.s32 @!p1 $0x2  }
0x23: {  	s14 =	smov.u32 s10;
	p0 =	por !p0, !p0;
	_ =	swait.ge @!p1 [sflag:s16], $0x4000  }
0x24: {  	s13 =	smov.u32 s11;
	[sflag:s16] =	ssyncset.done @!p1 $0x0;
	s10 =	smov.u32 s15  }
0x25: {  	s12 =	sadd.s32 $0x1, s12;
	[sflag:s16] =	ssyncadd.s32 @!p1 $0xFFFFC000;
	s11 =	smov.u32 s17  }
.LBB1_1:
0x26: {  	p1 =	sge.u32 s12, s5;
	s31 =	sadd.s32 $0xFFFFFFFF, s12  }
0x27: {  	s15 =	sand.u32 @!p1 $0x78, s10;
	s16 =	sshll.u32 @!p1 s11, $0xC;
	s17 =	sshll.u32 @!p1 s11, $0x7  }
0x28: {  	s18 =	sshll.u32 @!p1 s10, $0x3;
	s16 =	sand.u32 @!p1 $0x7F8000, s16;
	s17 =	sand.u32 @!p1 $0x380, s17  }
0x29: {  	s16 =	sadd.s32 @!p1 s16, s18;
	s18 =	sand.u32 @!p1 $0xC00, s18;
	s15 =	sor.u32 @!p1 s17, s15  }
0x2a: {  	s17 =	sxor.u32 @!p1 $0xFFFFFFFF, s12;
	s16 =	sand.u32 @!p1 $0x7FF000, s16;
	s15 =	sor.u32 @!p1 s18, s15  }
0x2b: {  	s17 =	sshll.u32 @!p1 s17, $0xE;
	s15 =	sor.u32 @!p1 s16, s15;
	s16 =	sand.u32 @!p1 $0x7, s10  }
0x2c: {  	s18 =	simm.s32 @!p1 $0x8000;
	s15 =	sshrl.u32 @!p1 s15, $0x3;
	s16 =	sshll.u32 @!p1 s16, $0x12  }
0x2d: {  	s17 =	sand.u32 @!p1 $0x4000, s17;
	s15 =	sadd.s32 @!p1 s6, s15;
	s16 =	sor.u32 @!p1 $0x400, s16  }
0x2e: {  	[tilespmem:s17], [sflag:$0x1] =	stream.strided.gather @!p1 [hbm4b:s15+s16], $0x4000, s18, s16, $0x38;
	[tilespmem:$0x10100] =	vst v63  }
0x2f: {  	p1 =	sge.u32 s31, s5  }
.Ltmp2:
0x30: {  	_ = 	snop;
	(pc) =	sbr.rel @p1 .LBB1_5-.Ltmp2, $1  }
0x31: {  	_ =	sdelay $0x3  }
0x32: {  	s15 =	simm.s32 $0x1  }
0x33: {  	_ =	swait.ge [sflag:s4], $0x4000;
	s15 =	simm.s32 @!p0 $0x0  }
0x34: {  	[sflag:s4] =	ssyncset.done $0x0;
	s16 =	sshll.u32 s15, $0xE  }
0x35: {  	[sflag:s4] =	ssyncadd.s32 $0xFFFFC000;
	s17 =	sor.u32 $0x40, s16  }
0x36: {  	s15 =	smul.u32 $0x10200, s15;
	v0 =	vld [tilespmem:s17+$0x30]  }
0x37: {  	v3 =	vld [tilespmem:s17+$0xFFFFFFD0]  }
0x38: {  	s15 =	sshrl.u32 s15, $0x2;
	v4 =	vld [tilespmem:s17+$0xFFFFFFE0]  }
0x39: {  	v5 =	vld [tilespmem:s17+$0xFFFFFFF0];
	s16 =	sor.u32 $0x8000, s15  }
0x3a: {  	s31 =	sand.u32 $0x1, s12;
	v1 =	vld [tilespmem:s17+$0x0];
	s18 =	sadd.s32 $0x0, s16  }
0x3b: {  	v2 =	vld [tilespmem:s17+$0x10];
	s15 =	smul.u32 $0x10200, s31;
	[tilespmem:s18+$0x3870 ss:$0x81] =	vst.msk $0xffff, v0  }
0x3c: {  	[tilespmem:s18+$0x810 ss:$0x81] =	vst.msk $0xffff, v3;
	v3 =	vld [tilespmem:s17+$0x20]  }
0x3d: {  	s15 =	sshrl.u32 s15, $0x2;
	v0 =	vld [tilespmem:s17+$0xFFFFFFC0];
	[tilespmem:s18+$0x1020 ss:$0x81] =	vst.msk $0xffff, v4;
	s17 =	sadd.s32 $0x80, s17  }
0x3e: {  	s19 =	simm.s32 $0x4;
	s20 =	simm.s32 $0x8;
	s15 =	sor.u32 $0x8000, s15;
	[tilespmem:s18+$0x1830 ss:$0x81] =	vst.msk $0xffff, v5;
	v4 =	vld [tilespmem:s17+$0x30]  }
.LBB1_3:
0x3f: {  	p1 =	sne.s32 s20, $0x1FC;
	v5 =	vld [tilespmem:s17+$0xFFFFFFD0];
	[tilespmem:s18+$0x2040 ss:$0x81] =	vst.msk $0xffff, v1  }
0x40: {  	v6 =	vld [tilespmem:s17+$0xFFFFFFE0];
	[tilespmem:s18+$0x2850 ss:$0x81] =	vst.msk $0xffff, v2  }
0x41: {  	s21 =	sshra.s32 s19, $0x2;
	s19 =	smov.u32 s20;
	v7 =	vld [tilespmem:s17+$0xFFFFFFF0];
	[tilespmem:s18+$0x3060 ss:$0x81] =	vst.msk $0xffff, v3  }
.Ltmp3:
0x42: {  	v1 =	vld [tilespmem:s17+$0x0];
	[tilespmem:s18+$0x0 ss:$0x81] =	vst.msk $0xffff, v0;
	s18 =	sadd.s32 s21, s16;
	(pc) =	sbr.rel @p1 .LBB1_3-.Ltmp3, $4  }
0x43: {  	v2 =	vld [tilespmem:s17+$0x10];
	[tilespmem:s18+$0x3870 ss:$0x81] =	vst.msk $0xffff, v4  }
0x44: {  	[tilespmem:s18+$0x810 ss:$0x81] =	vst.msk $0xffff, v5;
	v3 =	vld [tilespmem:s17+$0x20]  }
0x45: {  	v0 =	vld [tilespmem:s17+$0xFFFFFFC0];
	[tilespmem:s18+$0x1020 ss:$0x81] =	vst.msk $0xffff, v6;
	s17 =	sadd.s32 $0x80, s17  }
0x46: {  	s20 =	sadd.s32 $0x4, s20;
	v4 =	vld [tilespmem:s17+$0x30];
	[tilespmem:s18+$0x1830 ss:$0x81] =	vst.msk $0xffff, v7  }
.Ltmp4:
0x47: {  	_ = 	snop;
	(pc) =	sbr.rel .LBB1_4-.Ltmp4, $1  }
0x48: {  	_ =	sdelay $0x3  }
.LBB1_6:
0x49: {  	_ =	sfence.sel $0x180000  }
0x4a: {  	s2 =	simm.s32 $0x1;
	[bflag:$0x0] =	sbarrier.arrive $0xFFFF  }
0x4b: {  	s31 =	simm.s32 $0x2;
	[sflag:s2] =	ssyncpa.u1 $0x1  }
0x4c: {  	[sflag:s31] =	ssyncpa.u1 $0x1  }
0x4d: {  	p0 =	sne.s32 s1, $0x0;
	_ =	strace $0x90000047  }
0x4e: {  	s0 =	sadd.s32 @!p0 $0x100000, s0;
	[bflag:$0x2] =	sbarrier.arrive $0xFFFF  }
0x4f: {  	[sflag:s0] =	ssyncadd.tile.s32 @!p0 $0x1;
	_ =	shalt  }
.Lfunc_end1:
_tile_overlayer_lowered:
.L_overlay_start_2:
0x50: {  	(tag) =	ssettag $0x2  }
0x51: {  	s0 =	rddreg [dreg:$0x0];
	s2 =	stileid.u32  }
0x52: {  	s1 =	rddreg [dreg:$0x1];
	p0 =	sne.s32 s2, $0x0  }
0x53: {  	s3 =	rddreg [dreg:$0x2];
	[bflag:$0x3] =	sbarrier.arrive $0xFFFF;
	s2 =	simm.s32 @!p0 $0x1C01  }
0x54: {  	[timem:s3], [sflag:s2] =	dma.local @!p0 [hbm:s0], s1  }
0x55: {  	s0 =	simm.s32 @!p0 $0x1  }
0x56: {  	_ =	swait.ge @!p0 [sflag:s0], s1  }
0x57: {  	s1 =	ssub.s32 @!p0 $0x0, s1;
	[sflag:s0] =	ssyncset.done @!p0 $0x0  }
0x58: {  	[sflag:s0] =	ssyncadd.s32 @!p0 s1  }
0x59: {  	[bflag:$0x3] =	sbarrier.arrive $0xFFFF  }
0x5a: {  	_ =	shalt  }

</sc_bundles>
